<compile_context>
chip_gen: v7x
topology: tpu7x:2x2x1
jax: 0.10.2.dev20260603
libtpu: 0.0.44.dev20260713+nightly
codegen_flags: <defaults>
</compile_context>

<pallas_src>
import functools

import jax
import jax.numpy as jnp
from jax import lax
from jax.experimental import pallas as pl
from jax.experimental.pallas import tpu as pltpu
from jax.experimental.pallas import tpu_sc as plsc

B = 4 * 8192
D = 1024
NC, NS = 2, 16
NW = NC * NS
BPW = B // NW
C = 16
NB = 4
NCH = BPW // C


def _make_emb():
  mesh = plsc.VectorSubcoreMesh(core_axis_name="c", subcore_axis_name="s")

  @functools.partial(
      pl.kernel,
      mesh=mesh,
      out_type=jax.ShapeDtypeStruct((B, D), jnp.float32),
      scratch_types=[
          pltpu.VMEM((NCH, C), jnp.int32),
          pltpu.VMEM((NB, C, D), jnp.float32),
          pltpu.SemaphoreType.DMA,
          pltpu.SemaphoreType.DMA,
      ],
  )
  def emb(table_hbm, idx_hbm, out_hbm, idx_v, rows_v, gsem, ssem):
    wid = lax.axis_index("s") * NC + lax.axis_index("c")
    base = wid * BPW
    pltpu.sync_copy(idx_hbm.at[wid], idx_v)

    def g_desc(ci, b):
      return pltpu.make_async_copy(
          table_hbm.at[idx_v.at[ci]], rows_v.at[b], gsem)

    def s_desc(ci, b):
      return pltpu.make_async_copy(
          rows_v.at[b], out_hbm.at[pl.ds(base + ci * C, C)], ssem)

    for b in range(NB - 1):
      g_desc(b, b).start()

    @pl.loop(0, NCH, step=NB)
    def _(i):
      for b in range(NB):
        ci = i + b
        g_desc(ci, b).wait()
        s_desc(ci, b).start()
        prv = ci - 1
        nxt = ci + NB - 1
        bb = (b - 1) % NB

        @pl.when(prv >= 0)
        def _():
          s_desc(prv, bb).wait()

        @pl.when(nxt < NCH)
        def _():
          g_desc(nxt, bb).start()

    s_desc(NCH - 1, (NCH - 1) % NB).wait()

  return emb


_emb = _make_emb()


def kernel(position_ids, weight):
  idx = position_ids.reshape(NW, NCH, C).astype(jnp.int32)
  out = _emb(weight, idx)
  return out.reshape(position_ids.shape + (D,))

# --- scband reference (transcript-rebuilt; emitter-appended) ---
"""Pipeline reference for scband-position-embedding-9534827397157 (READ-ONLY COPY).

The authoritative reference and input builder live on the scoring server;
editing this copy changes nothing except your own understanding.
"""

import jax, jax.numpy as jnp
import numpy as np


def setup_inputs(seed: int = 0) -> dict:
    key = jax.random.key(seed)
    k1, k2 = jax.random.split(key)
    position_ids = jax.random.randint(k1, (4, 8192), 0, 8192, dtype=jnp.int64 if jax.config.jax_enable_x64 else jnp.int32)
    weight = jax.random.normal(k2, (8192, 1024), dtype=jnp.float32)
    return {"position_ids": position_ids, "weight": weight}


def reference(position_ids, weight):
    # ttnn.embedding(position_ids, weight) -> gather rows of the table
    position_embeddings = jnp.take(weight, position_ids, axis=0)
    return position_embeddings

if __name__ == "__main__":
    import jax
    _d = setup_inputs()
    print(jax.jit(kernel)(*tuple(_d.values())))

</pallas_src>

<mosaic_0001>
#map = affine_map<(d0, d1) -> (0, 0)>
#map1 = affine_map<(d0, d1) -> (0, 0, 0)>
module attributes {stable_mosaic.version = 14 : i64} {
  func.func @emb(%arg0: i32, %arg1: i32, %arg2: memref<8192x1024xf32, #tpu.memory_space<hbm>>, %arg3: memref<32x64x16xi32, #tpu.memory_space<hbm>>, %arg4: memref<32768x1024xf32, #tpu.memory_space<hbm>>, %arg5: memref<64x16xi32, #tpu.memory_space<vmem>>, %arg6: memref<4x16x1024xf32, #tpu.memory_space<vmem>>, %arg7: memref<!tpu.dma_semaphore, #tpu.memory_space<semaphore_mem>>, %arg8: memref<!tpu.dma_semaphore, #tpu.memory_space<semaphore_mem>>) attributes {dimension_semantics = [#tpu.dimension_semantics<core_parallel>, #tpu.dimension_semantics<subcore_parallel>], iteration_bounds = array<i64: 2, 16>, scalar_prefetch = 0 : i64, scratch_operands = 4 : i64, tpu.core_type = #tpu.core_type<sc_vector_subcore>, window_params = [{transform_indices = #map}, {transform_indices = #map1}, {transform_indices = #map}]} {
    %mul3A = arith.constant 2 : i32
    %mul3A_0 = arith.muli %arg1, %mul3A : i32
    %add3A = arith.addi %mul3A_0, %arg0 : i32
    %mul3A_1 = arith.constant 1024 : i32
    %mul3A_2 = arith.muli %add3A, %mul3A_1 : i32
    "tpu.region"() ({
      %run_scoped3A = tpu.sem_alloc : memref<!tpu.dma_semaphore, #tpu.memory_space<semaphore_mem>>
      %dma_start3A_56 = arith.constant 0 : i32
      %dma_start3A_57 = arith.constant 0 : i32
      %dma_start3A_58 = tpu.memref_slice %arg3[%add3A, %dma_start3A_56, %dma_start3A_57] : memref<32x64x16xi32, #tpu.memory_space<hbm>> -> memref<1x64x16xi32, #tpu.memory_space<hbm>>
      %dma_start3A_59 = tpu.memref_squeeze %dma_start3A_58 : memref<1x64x16xi32, #tpu.memory_space<hbm>> -> memref<64x16xi32, #tpu.memory_space<hbm>>
      %dma_start3A_60 = arith.constant 0 : i32
      %dma_start3A_61 = arith.constant 0 : i32
      %dma_start3A_62 = tpu.memref_slice %arg3[%add3A, %dma_start3A_60, %dma_start3A_61] : memref<32x64x16xi32, #tpu.memory_space<hbm>> -> memref<1x64x16xi32, #tpu.memory_space<hbm>>
      %dma_start3A_63 = tpu.memref_squeeze %dma_start3A_62 : memref<1x64x16xi32, #tpu.memory_space<hbm>> -> memref<64x16xi32, #tpu.memory_space<hbm>>
      tpu.enqueue_dma source(%dma_start3A_63 : memref<64x16xi32, #tpu.memory_space<hbm>>) target(%arg5 : memref<64x16xi32, #tpu.memory_space<vmem>>) target_semaphore(%run_scoped3A : memref<!tpu.dma_semaphore, #tpu.memory_space<semaphore_mem>>)
      %dma_wait3A_64 = arith.constant 0 : i32
      %dma_wait3A_65 = arith.constant 0 : i32
      %dma_wait3A_66 = tpu.memref_slice %arg3[%add3A, %dma_wait3A_64, %dma_wait3A_65] : memref<32x64x16xi32, #tpu.memory_space<hbm>> -> memref<1x64x16xi32, #tpu.memory_space<hbm>>
      %dma_wait3A_67 = tpu.memref_squeeze %dma_wait3A_66 : memref<1x64x16xi32, #tpu.memory_space<hbm>> -> memref<64x16xi32, #tpu.memory_space<hbm>>
      %dma_wait3A_68 = arith.constant 0 : i32
      %dma_wait3A_69 = arith.constant 0 : i32
      %dma_wait3A_70 = tpu.memref_slice %arg3[%add3A, %dma_wait3A_68, %dma_wait3A_69] : memref<32x64x16xi32, #tpu.memory_space<hbm>> -> memref<1x64x16xi32, #tpu.memory_space<hbm>>
      %dma_wait3A_71 = tpu.memref_squeeze %dma_wait3A_70 : memref<1x64x16xi32, #tpu.memory_space<hbm>> -> memref<64x16xi32, #tpu.memory_space<hbm>>
      tpu.wait_dma2 semaphore(%run_scoped3A : memref<!tpu.dma_semaphore, #tpu.memory_space<semaphore_mem>>) src(%dma_wait3A_71 : memref<64x16xi32, #tpu.memory_space<hbm>>) dst(%arg5 : memref<64x16xi32, #tpu.memory_space<vmem>>)
      tpu.yield
    }) : () -> ()
    %dma_start3A = arith.constant 0 : i32
    %dma_start3A_3 = arith.constant 0 : i32
    %dma_start3A_4 = arith.constant 0 : i32
    %dma_start3A_5 = arith.constant 0 : i32
    %dma_start3A_6 = tpu.memref_slice %arg6[%dma_start3A_3, %dma_start3A_4, %dma_start3A_5] : memref<4x16x1024xf32, #tpu.memory_space<vmem>> -> memref<1x16x1024xf32, #tpu.memory_space<vmem>>
    %dma_start3A_7 = tpu.memref_squeeze %dma_start3A_6 : memref<1x16x1024xf32, #tpu.memory_space<vmem>> -> memref<16x1024xf32, #tpu.memory_space<vmem>>
    %dma_start3A_8 = arith.constant 0 : i32
    %dma_start3A_9 = tpu.memref_slice %arg5[%dma_start3A, %dma_start3A_8] : memref<64x16xi32, #tpu.memory_space<vmem>> -> memref<1x16xi32, #tpu.memory_space<vmem>>
    %dma_start3A_10 = tpu.memref_squeeze %dma_start3A_9 : memref<1x16xi32, #tpu.memory_space<vmem>> -> memref<16xi32, #tpu.memory_space<vmem>>
    %dma_start3A_11 = arith.constant 0 : i32
    %dma_start3A_12 = arith.constant 0 : i32
    %dma_start3A_13 = tpu.memref_slice %arg2[%dma_start3A_11, %dma_start3A_12] : memref<8192x1024xf32, #tpu.memory_space<hbm>> -> memref<8192x1024xf32, #tpu.memory_space<hbm>>
    tpu.enqueue_indirect_dma source(%dma_start3A_13 : memref<8192x1024xf32, #tpu.memory_space<hbm>>) target(%dma_start3A_7 : memref<16x1024xf32, #tpu.memory_space<vmem>>) offsets(%dma_start3A_10 : memref<16xi32, #tpu.memory_space<vmem>>) semaphore(%arg7 : memref<!tpu.dma_semaphore, #tpu.memory_space<semaphore_mem>>)
    %dma_start3A_14 = arith.constant 1 : i32
    %dma_start3A_15 = arith.constant 1 : i32
    %dma_start3A_16 = arith.constant 0 : i32
    %dma_start3A_17 = arith.constant 0 : i32
    %dma_start3A_18 = tpu.memref_slice %arg6[%dma_start3A_15, %dma_start3A_16, %dma_start3A_17] : memref<4x16x1024xf32, #tpu.memory_space<vmem>> -> memref<1x16x1024xf32, #tpu.memory_space<vmem>>
    %dma_start3A_19 = tpu.memref_squeeze %dma_start3A_18 : memref<1x16x1024xf32, #tpu.memory_space<vmem>> -> memref<16x1024xf32, #tpu.memory_space<vmem>>
    %dma_start3A_20 = arith.constant 0 : i32
    %dma_start3A_21 = tpu.memref_slice %arg5[%dma_start3A_14, %dma_start3A_20] : memref<64x16xi32, #tpu.memory_space<vmem>> -> memref<1x16xi32, #tpu.memory_space<vmem>>
    %dma_start3A_22 = tpu.memref_squeeze %dma_start3A_21 : memref<1x16xi32, #tpu.memory_space<vmem>> -> memref<16xi32, #tpu.memory_space<vmem>>
    %dma_start3A_23 = arith.constant 0 : i32
    %dma_start3A_24 = arith.constant 0 : i32
    %dma_start3A_25 = tpu.memref_slice %arg2[%dma_start3A_23, %dma_start3A_24] : memref<8192x1024xf32, #tpu.memory_space<hbm>> -> memref<8192x1024xf32, #tpu.memory_space<hbm>>
    tpu.enqueue_indirect_dma source(%dma_start3A_25 : memref<8192x1024xf32, #tpu.memory_space<hbm>>) target(%dma_start3A_19 : memref<16x1024xf32, #tpu.memory_space<vmem>>) offsets(%dma_start3A_22 : memref<16xi32, #tpu.memory_space<vmem>>) semaphore(%arg7 : memref<!tpu.dma_semaphore, #tpu.memory_space<semaphore_mem>>)
    %dma_start3A_26 = arith.constant 2 : i32
    %dma_start3A_27 = arith.constant 2 : i32
    %dma_start3A_28 = arith.constant 0 : i32
    %dma_start3A_29 = arith.constant 0 : i32
    %dma_start3A_30 = tpu.memref_slice %arg6[%dma_start3A_27, %dma_start3A_28, %dma_start3A_29] : memref<4x16x1024xf32, #tpu.memory_space<vmem>> -> memref<1x16x1024xf32, #tpu.memory_space<vmem>>
    %dma_start3A_31 = tpu.memref_squeeze %dma_start3A_30 : memref<1x16x1024xf32, #tpu.memory_space<vmem>> -> memref<16x1024xf32, #tpu.memory_space<vmem>>
    %dma_start3A_32 = arith.constant 0 : i32
    %dma_start3A_33 = tpu.memref_slice %arg5[%dma_start3A_26, %dma_start3A_32] : memref<64x16xi32, #tpu.memory_space<vmem>> -> memref<1x16xi32, #tpu.memory_space<vmem>>
    %dma_start3A_34 = tpu.memref_squeeze %dma_start3A_33 : memref<1x16xi32, #tpu.memory_space<vmem>> -> memref<16xi32, #tpu.memory_space<vmem>>
    %dma_start3A_35 = arith.constant 0 : i32
    %dma_start3A_36 = arith.constant 0 : i32
    %dma_start3A_37 = tpu.memref_slice %arg2[%dma_start3A_35, %dma_start3A_36] : memref<8192x1024xf32, #tpu.memory_space<hbm>> -> memref<8192x1024xf32, #tpu.memory_space<hbm>>
    tpu.enqueue_indirect_dma source(%dma_start3A_37 : memref<8192x1024xf32, #tpu.memory_space<hbm>>) target(%dma_start3A_31 : memref<16x1024xf32, #tpu.memory_space<vmem>>) offsets(%dma_start3A_34 : memref<16xi32, #tpu.memory_space<vmem>>) semaphore(%arg7 : memref<!tpu.dma_semaphore, #tpu.memory_space<semaphore_mem>>)
    %scan3A = arith.constant 0 : i32
    %scan3A_38 = arith.constant 16 : i32
    %scan3A_39 = arith.addi %scan3A, %scan3A_38 : i32
    %scan3A_40 = arith.constant 1 : i32
    scf.for %scan3A_56 = %scan3A to %scan3A_39 step %scan3A_40  : i32 {
      %mul3A_57 = arith.constant 4 : i32
      %mul3A_58 = arith.muli %scan3A_56, %mul3A_57 : i32
      %add3A_59 = arith.constant 0 : i32
      %add3A_60 = arith.addi %add3A_59, %mul3A_58 : i32
      %add3A_61 = arith.constant 0 : i32
      %add3A_62 = arith.addi %add3A_60, %add3A_61 : i32
      %dma_wait3A_63 = arith.constant 0 : i32
      %dma_wait3A_64 = arith.constant 0 : i32
      %dma_wait3A_65 = arith.constant 0 : i32
      %dma_wait3A_66 = tpu.memref_slice %arg6[%dma_wait3A_63, %dma_wait3A_64, %dma_wait3A_65] : memref<4x16x1024xf32, #tpu.memory_space<vmem>> -> memref<1x16x1024xf32, #tpu.memory_space<vmem>>
      %dma_wait3A_67 = tpu.memref_squeeze %dma_wait3A_66 : memref<1x16x1024xf32, #tpu.memory_space<vmem>> -> memref<16x1024xf32, #tpu.memory_space<vmem>>
      %dma_wait3A_68 = arith.constant 0 : i32
      %dma_wait3A_69 = tpu.memref_slice %arg5[%add3A_62, %dma_wait3A_68] : memref<64x16xi32, #tpu.memory_space<vmem>> -> memref<1x16xi32, #tpu.memory_space<vmem>>
      %dma_wait3A_70 = tpu.memref_squeeze %dma_wait3A_69 : memref<1x16xi32, #tpu.memory_space<vmem>> -> memref<16xi32, #tpu.memory_space<vmem>>
      %dma_wait3A_71 = arith.constant 0 : i32
      %dma_wait3A_72 = arith.constant 0 : i32
      %dma_wait3A_73 = tpu.memref_slice %arg2[%dma_wait3A_71, %dma_wait3A_72] : memref<8192x1024xf32, #tpu.memory_space<hbm>> -> memref<8192x1024xf32, #tpu.memory_space<hbm>>
      tpu.wait_indirect_dma semaphore(%arg7 : memref<!tpu.dma_semaphore, #tpu.memory_space<semaphore_mem>>) src(%dma_wait3A_73 : memref<8192x1024xf32, #tpu.memory_space<hbm>>) dst(%dma_wait3A_67 : memref<16x1024xf32, #tpu.memory_space<vmem>>)
      %mul3A_74 = arith.constant 16 : i32
      %mul3A_75 = arith.muli %add3A_62, %mul3A_74 : i32
      %add3A_76 = arith.addi %mul3A_2, %mul3A_75 : i32
      %dma_start3A_77 = arith.constant 0 : i32
      %dma_start3A_78 = arith.constant 0 : i32
      %dma_start3A_79 = arith.constant 0 : i32
      %dma_start3A_80 = tpu.memref_slice %arg6[%dma_start3A_77, %dma_start3A_78, %dma_start3A_79] : memref<4x16x1024xf32, #tpu.memory_space<vmem>> -> memref<1x16x1024xf32, #tpu.memory_space<vmem>>
      %dma_start3A_81 = tpu.memref_squeeze %dma_start3A_80 : memref<1x16x1024xf32, #tpu.memory_space<vmem>> -> memref<16x1024xf32, #tpu.memory_space<vmem>>
      %dma_start3A_82 = arith.constant 0 : i32
      %dma_start3A_83 = tpu.memref_slice %arg4[%add3A_76, %dma_start3A_82] : memref<32768x1024xf32, #tpu.memory_space<hbm>> -> memref<16x1024xf32, #tpu.memory_space<hbm>>
      %dma_start3A_84 = arith.constant 0 : i32
      %dma_start3A_85 = tpu.memref_slice %arg4[%add3A_76, %dma_start3A_84] : memref<32768x1024xf32, #tpu.memory_space<hbm>> -> memref<16x1024xf32, #tpu.memory_space<hbm>>
      %dma_start3A_86 = arith.constant 0 : i32
      %dma_start3A_87 = arith.constant 0 : i32
      %dma_start3A_88 = tpu.memref_slice %arg6[%dma_start3A_77, %dma_start3A_86, %dma_start3A_87] : memref<4x16x1024xf32, #tpu.memory_space<vmem>> -> memref<1x16x1024xf32, #tpu.memory_space<vmem>>
      %dma_start3A_89 = tpu.memref_squeeze %dma_start3A_88 : memref<1x16x1024xf32, #tpu.memory_space<vmem>> -> memref<16x1024xf32, #tpu.memory_space<vmem>>
      tpu.enqueue_dma source(%dma_start3A_89 : memref<16x1024xf32, #tpu.memory_space<vmem>>) target(%dma_start3A_85 : memref<16x1024xf32, #tpu.memory_space<hbm>>) target_semaphore(%arg8 : memref<!tpu.dma_semaphore, #tpu.memory_space<semaphore_mem>>)
      %sub3A = arith.constant 1 : i32
      %sub3A_90 = arith.subi %add3A_62, %sub3A : i32
      %add3A_91 = arith.constant 4 : i32
      %add3A_92 = arith.addi %add3A_62, %add3A_91 : i32
      %sub3A_93 = arith.constant 1 : i32
      %sub3A_94 = arith.subi %add3A_92, %sub3A_93 : i32
      %ge3A = arith.constant 0 : i32
      %ge3A_95 = arith.cmpi sge, %sub3A_90, %ge3A : i32
      %convert_element_type3A = arith.extui %ge3A_95 : i1 to i32
      %cond3A = arith.constant 0 : i32
      %cond3A_96 = arith.cmpi ne, %convert_element_type3A, %cond3A : i32
      scf.if %cond3A_96 {
        %mul3A_236 = arith.constant 16 : i32
        %mul3A_237 = arith.muli %sub3A_90, %mul3A_236 : i32
        %add3A_238 = arith.addi %mul3A_2, %mul3A_237 : i32
        %dma_wait3A_239 = arith.constant 3 : i32
        %dma_wait3A_240 = arith.constant 0 : i32
        %dma_wait3A_241 = arith.constant 0 : i32
        %dma_wait3A_242 = tpu.memref_slice %arg6[%dma_wait3A_239, %dma_wait3A_240, %dma_wait3A_241] : memref<4x16x1024xf32, #tpu.memory_space<vmem>> -> memref<1x16x1024xf32, #tpu.memory_space<vmem>>
        %dma_wait3A_243 = tpu.memref_squeeze %dma_wait3A_242 : memref<1x16x1024xf32, #tpu.memory_space<vmem>> -> memref<16x1024xf32, #tpu.memory_space<vmem>>
        %dma_wait3A_244 = arith.constant 0 : i32
        %dma_wait3A_245 = tpu.memref_slice %arg4[%add3A_238, %dma_wait3A_244] : memref<32768x1024xf32, #tpu.memory_space<hbm>> -> memref<16x1024xf32, #tpu.memory_space<hbm>>
        %dma_wait3A_246 = arith.constant 0 : i32
        %dma_wait3A_247 = tpu.memref_slice %arg4[%add3A_238, %dma_wait3A_246] : memref<32768x1024xf32, #tpu.memory_space<hbm>> -> memref<16x1024xf32, #tpu.memory_space<hbm>>
        %dma_wait3A_248 = arith.constant 0 : i32
        %dma_wait3A_249 = arith.constant 0 : i32
        %dma_wait3A_250 = tpu.memref_slice %arg6[%dma_wait3A_239, %dma_wait3A_248, %dma_wait3A_249] : memref<4x16x1024xf32, #tpu.memory_space<vmem>> -> memref<1x16x1024xf32, #tpu.memory_space<vmem>>
        %dma_wait3A_251 = tpu.memref_squeeze %dma_wait3A_250 : memref<1x16x1024xf32, #tpu.memory_space<vmem>> -> memref<16x1024xf32, #tpu.memory_space<vmem>>
        tpu.wait_dma2 semaphore(%arg8 : memref<!tpu.dma_semaphore, #tpu.memory_space<semaphore_mem>>) src(%dma_wait3A_251 : memref<16x1024xf32, #tpu.memory_space<vmem>>) dst(%dma_wait3A_247 : memref<16x1024xf32, #tpu.memory_space<hbm>>)
      } else {
      }
      %lt3A = arith.constant 64 : i32
      %lt3A_97 = arith.cmpi slt, %sub3A_94, %lt3A : i32
      %convert_element_type3A_98 = arith.extui %lt3A_97 : i1 to i32
      %cond3A_99 = arith.constant 0 : i32
      %cond3A_100 = arith.cmpi ne, %convert_element_type3A_98, %cond3A_99 : i32
      scf.if %cond3A_100 {
        %dma_start3A_236 = arith.constant 3 : i32
        %dma_start3A_237 = arith.constant 0 : i32
        %dma_start3A_238 = arith.constant 0 : i32
        %dma_start3A_239 = tpu.memref_slice %arg6[%dma_start3A_236, %dma_start3A_237, %dma_start3A_238] : memref<4x16x1024xf32, #tpu.memory_space<vmem>> -> memref<1x16x1024xf32, #tpu.memory_space<vmem>>
        %dma_start3A_240 = tpu.memref_squeeze %dma_start3A_239 : memref<1x16x1024xf32, #tpu.memory_space<vmem>> -> memref<16x1024xf32, #tpu.memory_space<vmem>>
        %dma_start3A_241 = arith.constant 0 : i32
        %dma_start3A_242 = tpu.memref_slice %arg5[%sub3A_94, %dma_start3A_241] : memref<64x16xi32, #tpu.memory_space<vmem>> -> memref<1x16xi32, #tpu.memory_space<vmem>>
        %dma_start3A_243 = tpu.memref_squeeze %dma_start3A_242 : memref<1x16xi32, #tpu.memory_space<vmem>> -> memref<16xi32, #tpu.memory_space<vmem>>
        %dma_start3A_244 = arith.constant 0 : i32
        %dma_start3A_245 = arith.constant 0 : i32
        %dma_start3A_246 = tpu.memref_slice %arg2[%dma_start3A_244, %dma_start3A_245] : memref<8192x1024xf32, #tpu.memory_space<hbm>> -> memref<8192x1024xf32, #tpu.memory_space<hbm>>
        tpu.enqueue_indirect_dma source(%dma_start3A_246 : memref<8192x1024xf32, #tpu.memory_space<hbm>>) target(%dma_start3A_240 : memref<16x1024xf32, #tpu.memory_space<vmem>>) offsets(%dma_start3A_243 : memref<16xi32, #tpu.memory_space<vmem>>) semaphore(%arg7 : memref<!tpu.dma_semaphore, #tpu.memory_space<semaphore_mem>>)
      } else {
      }
      %add3A_101 = arith.constant 1 : i32
      %add3A_102 = arith.addi %add3A_60, %add3A_101 : i32
      %dma_wait3A_103 = arith.constant 1 : i32
      %dma_wait3A_104 = arith.constant 0 : i32
      %dma_wait3A_105 = arith.constant 0 : i32
      %dma_wait3A_106 = tpu.memref_slice %arg6[%dma_wait3A_103, %dma_wait3A_104, %dma_wait3A_105] : memref<4x16x1024xf32, #tpu.memory_space<vmem>> -> memref<1x16x1024xf32, #tpu.memory_space<vmem>>
      %dma_wait3A_107 = tpu.memref_squeeze %dma_wait3A_106 : memref<1x16x1024xf32, #tpu.memory_space<vmem>> -> memref<16x1024xf32, #tpu.memory_space<vmem>>
      %dma_wait3A_108 = arith.constant 0 : i32
      %dma_wait3A_109 = tpu.memref_slice %arg5[%add3A_102, %dma_wait3A_108] : memref<64x16xi32, #tpu.memory_space<vmem>> -> memref<1x16xi32, #tpu.memory_space<vmem>>
      %dma_wait3A_110 = tpu.memref_squeeze %dma_wait3A_109 : memref<1x16xi32, #tpu.memory_space<vmem>> -> memref<16xi32, #tpu.memory_space<vmem>>
      %dma_wait3A_111 = arith.constant 0 : i32
      %dma_wait3A_112 = arith.constant 0 : i32
      %dma_wait3A_113 = tpu.memref_slice %arg2[%dma_wait3A_111, %dma_wait3A_112] : memref<8192x1024xf32, #tpu.memory_space<hbm>> -> memref<8192x1024xf32, #tpu.memory_space<hbm>>
      tpu.wait_indirect_dma semaphore(%arg7 : memref<!tpu.dma_semaphore, #tpu.memory_space<semaphore_mem>>) src(%dma_wait3A_113 : memref<8192x1024xf32, #tpu.memory_space<hbm>>) dst(%dma_wait3A_107 : memref<16x1024xf32, #tpu.memory_space<vmem>>)
      %mul3A_114 = arith.constant 16 : i32
      %mul3A_115 = arith.muli %add3A_102, %mul3A_114 : i32
      %add3A_116 = arith.addi %mul3A_2, %mul3A_115 : i32
      %dma_start3A_117 = arith.constant 1 : i32
      %dma_start3A_118 = arith.constant 0 : i32
      %dma_start3A_119 = arith.constant 0 : i32
      %dma_start3A_120 = tpu.memref_slice %arg6[%dma_start3A_117, %dma_start3A_118, %dma_start3A_119] : memref<4x16x1024xf32, #tpu.memory_space<vmem>> -> memref<1x16x1024xf32, #tpu.memory_space<vmem>>
      %dma_start3A_121 = tpu.memref_squeeze %dma_start3A_120 : memref<1x16x1024xf32, #tpu.memory_space<vmem>> -> memref<16x1024xf32, #tpu.memory_space<vmem>>
      %dma_start3A_122 = arith.constant 0 : i32
      %dma_start3A_123 = tpu.memref_slice %arg4[%add3A_116, %dma_start3A_122] : memref<32768x1024xf32, #tpu.memory_space<hbm>> -> memref<16x1024xf32, #tpu.memory_space<hbm>>
      %dma_start3A_124 = arith.constant 0 : i32
      %dma_start3A_125 = tpu.memref_slice %arg4[%add3A_116, %dma_start3A_124] : memref<32768x1024xf32, #tpu.memory_space<hbm>> -> memref<16x1024xf32, #tpu.memory_space<hbm>>
      %dma_start3A_126 = arith.constant 0 : i32
      %dma_start3A_127 = arith.constant 0 : i32
      %dma_start3A_128 = tpu.memref_slice %arg6[%dma_start3A_117, %dma_start3A_126, %dma_start3A_127] : memref<4x16x1024xf32, #tpu.memory_space<vmem>> -> memref<1x16x1024xf32, #tpu.memory_space<vmem>>
      %dma_start3A_129 = tpu.memref_squeeze %dma_start3A_128 : memref<1x16x1024xf32, #tpu.memory_space<vmem>> -> memref<16x1024xf32, #tpu.memory_space<vmem>>
      tpu.enqueue_dma source(%dma_start3A_129 : memref<16x1024xf32, #tpu.memory_space<vmem>>) target(%dma_start3A_125 : memref<16x1024xf32, #tpu.memory_space<hbm>>) target_semaphore(%arg8 : memref<!tpu.dma_semaphore, #tpu.memory_space<semaphore_mem>>)
      %sub3A_130 = arith.constant 1 : i32
      %sub3A_131 = arith.subi %add3A_102, %sub3A_130 : i32
      %add3A_132 = arith.constant 4 : i32
      %add3A_133 = arith.addi %add3A_102, %add3A_132 : i32
      %sub3A_134 = arith.constant 1 : i32
      %sub3A_135 = arith.subi %add3A_133, %sub3A_134 : i32
      %ge3A_136 = arith.constant 0 : i32
      %ge3A_137 = arith.cmpi sge, %sub3A_131, %ge3A_136 : i32
      %convert_element_type3A_138 = arith.extui %ge3A_137 : i1 to i32
      %cond3A_139 = arith.constant 0 : i32
      %cond3A_140 = arith.cmpi ne, %convert_element_type3A_138, %cond3A_139 : i32
      scf.if %cond3A_140 {
        %mul3A_236 = arith.constant 16 : i32
        %mul3A_237 = arith.muli %sub3A_131, %mul3A_236 : i32
        %add3A_238 = arith.addi %mul3A_2, %mul3A_237 : i32
        %dma_wait3A_239 = arith.constant 0 : i32
        %dma_wait3A_240 = arith.constant 0 : i32
        %dma_wait3A_241 = arith.constant 0 : i32
        %dma_wait3A_242 = tpu.memref_slice %arg6[%dma_wait3A_239, %dma_wait3A_240, %dma_wait3A_241] : memref<4x16x1024xf32, #tpu.memory_space<vmem>> -> memref<1x16x1024xf32, #tpu.memory_space<vmem>>
        %dma_wait3A_243 = tpu.memref_squeeze %dma_wait3A_242 : memref<1x16x1024xf32, #tpu.memory_space<vmem>> -> memref<16x1024xf32, #tpu.memory_space<vmem>>
        %dma_wait3A_244 = arith.constant 0 : i32
        %dma_wait3A_245 = tpu.memref_slice %arg4[%add3A_238, %dma_wait3A_244] : memref<32768x1024xf32, #tpu.memory_space<hbm>> -> memref<16x1024xf32, #tpu.memory_space<hbm>>
        %dma_wait3A_246 = arith.constant 0 : i32
        %dma_wait3A_247 = tpu.memref_slice %arg4[%add3A_238, %dma_wait3A_246] : memref<32768x1024xf32, #tpu.memory_space<hbm>> -> memref<16x1024xf32, #tpu.memory_space<hbm>>
        %dma_wait3A_248 = arith.constant 0 : i32
        %dma_wait3A_249 = arith.constant 0 : i32
        %dma_wait3A_250 = tpu.memref_slice %arg6[%dma_wait3A_239, %dma_wait3A_248, %dma_wait3A_249] : memref<4x16x1024xf32, #tpu.memory_space<vmem>> -> memref<1x16x1024xf32, #tpu.memory_space<vmem>>
        %dma_wait3A_251 = tpu.memref_squeeze %dma_wait3A_250 : memref<1x16x1024xf32, #tpu.memory_space<vmem>> -> memref<16x1024xf32, #tpu.memory_space<vmem>>
        tpu.wait_dma2 semaphore(%arg8 : memref<!tpu.dma_semaphore, #tpu.memory_space<semaphore_mem>>) src(%dma_wait3A_251 : memref<16x1024xf32, #tpu.memory_space<vmem>>) dst(%dma_wait3A_247 : memref<16x1024xf32, #tpu.memory_space<hbm>>)
      } else {
      }
      %lt3A_141 = arith.constant 64 : i32
      %lt3A_142 = arith.cmpi slt, %sub3A_135, %lt3A_141 : i32
      %convert_element_type3A_143 = arith.extui %lt3A_142 : i1 to i32
      %cond3A_144 = arith.constant 0 : i32
      %cond3A_145 = arith.cmpi ne, %convert_element_type3A_143, %cond3A_144 : i32
      scf.if %cond3A_145 {
        %dma_start3A_236 = arith.constant 0 : i32
        %dma_start3A_237 = arith.constant 0 : i32
        %dma_start3A_238 = arith.constant 0 : i32
        %dma_start3A_239 = tpu.memref_slice %arg6[%dma_start3A_236, %dma_start3A_237, %dma_start3A_238] : memref<4x16x1024xf32, #tpu.memory_space<vmem>> -> memref<1x16x1024xf32, #tpu.memory_space<vmem>>
        %dma_start3A_240 = tpu.memref_squeeze %dma_start3A_239 : memref<1x16x1024xf32, #tpu.memory_space<vmem>> -> memref<16x1024xf32, #tpu.memory_space<vmem>>
        %dma_start3A_241 = arith.constant 0 : i32
        %dma_start3A_242 = tpu.memref_slice %arg5[%sub3A_135, %dma_start3A_241] : memref<64x16xi32, #tpu.memory_space<vmem>> -> memref<1x16xi32, #tpu.memory_space<vmem>>
        %dma_start3A_243 = tpu.memref_squeeze %dma_start3A_242 : memref<1x16xi32, #tpu.memory_space<vmem>> -> memref<16xi32, #tpu.memory_space<vmem>>
        %dma_start3A_244 = arith.constant 0 : i32
        %dma_start3A_245 = arith.constant 0 : i32
        %dma_start3A_246 = tpu.memref_slice %arg2[%dma_start3A_244, %dma_start3A_245] : memref<8192x1024xf32, #tpu.memory_space<hbm>> -> memref<8192x1024xf32, #tpu.memory_space<hbm>>
        tpu.enqueue_indirect_dma source(%dma_start3A_246 : memref<8192x1024xf32, #tpu.memory_space<hbm>>) target(%dma_start3A_240 : memref<16x1024xf32, #tpu.memory_space<vmem>>) offsets(%dma_start3A_243 : memref<16xi32, #tpu.memory_space<vmem>>) semaphore(%arg7 : memref<!tpu.dma_semaphore, #tpu.memory_space<semaphore_mem>>)
      } else {
      }
      %add3A_146 = arith.constant 2 : i32
      %add3A_147 = arith.addi %add3A_60, %add3A_146 : i32
      %dma_wait3A_148 = arith.constant 2 : i32
      %dma_wait3A_149 = arith.constant 0 : i32
      %dma_wait3A_150 = arith.constant 0 : i32
      %dma_wait3A_151 = tpu.memref_slice %arg6[%dma_wait3A_148, %dma_wait3A_149, %dma_wait3A_150] : memref<4x16x1024xf32, #tpu.memory_space<vmem>> -> memref<1x16x1024xf32, #tpu.memory_space<vmem>>
      %dma_wait3A_152 = tpu.memref_squeeze %dma_wait3A_151 : memref<1x16x1024xf32, #tpu.memory_space<vmem>> -> memref<16x1024xf32, #tpu.memory_space<vmem>>
      %dma_wait3A_153 = arith.constant 0 : i32
      %dma_wait3A_154 = tpu.memref_slice %arg5[%add3A_147, %dma_wait3A_153] : memref<64x16xi32, #tpu.memory_space<vmem>> -> memref<1x16xi32, #tpu.memory_space<vmem>>
      %dma_wait3A_155 = tpu.memref_squeeze %dma_wait3A_154 : memref<1x16xi32, #tpu.memory_space<vmem>> -> memref<16xi32, #tpu.memory_space<vmem>>
      %dma_wait3A_156 = arith.constant 0 : i32
      %dma_wait3A_157 = arith.constant 0 : i32
      %dma_wait3A_158 = tpu.memref_slice %arg2[%dma_wait3A_156, %dma_wait3A_157] : memref<8192x1024xf32, #tpu.memory_space<hbm>> -> memref<8192x1024xf32, #tpu.memory_space<hbm>>
      tpu.wait_indirect_dma semaphore(%arg7 : memref<!tpu.dma_semaphore, #tpu.memory_space<semaphore_mem>>) src(%dma_wait3A_158 : memref<8192x1024xf32, #tpu.memory_space<hbm>>) dst(%dma_wait3A_152 : memref<16x1024xf32, #tpu.memory_space<vmem>>)
      %mul3A_159 = arith.constant 16 : i32
      %mul3A_160 = arith.muli %add3A_147, %mul3A_159 : i32
      %add3A_161 = arith.addi %mul3A_2, %mul3A_160 : i32
      %dma_start3A_162 = arith.constant 2 : i32
      %dma_start3A_163 = arith.constant 0 : i32
      %dma_start3A_164 = arith.constant 0 : i32
      %dma_start3A_165 = tpu.memref_slice %arg6[%dma_start3A_162, %dma_start3A_163, %dma_start3A_164] : memref<4x16x1024xf32, #tpu.memory_space<vmem>> -> memref<1x16x1024xf32, #tpu.memory_space<vmem>>
      %dma_start3A_166 = tpu.memref_squeeze %dma_start3A_165 : memref<1x16x1024xf32, #tpu.memory_space<vmem>> -> memref<16x1024xf32, #tpu.memory_space<vmem>>
      %dma_start3A_167 = arith.constant 0 : i32
      %dma_start3A_168 = tpu.memref_slice %arg4[%add3A_161, %dma_start3A_167] : memref<32768x1024xf32, #tpu.memory_space<hbm>> -> memref<16x1024xf32, #tpu.memory_space<hbm>>
      %dma_start3A_169 = arith.constant 0 : i32
      %dma_start3A_170 = tpu.memref_slice %arg4[%add3A_161, %dma_start3A_169] : memref<32768x1024xf32, #tpu.memory_space<hbm>> -> memref<16x1024xf32, #tpu.memory_space<hbm>>
      %dma_start3A_171 = arith.constant 0 : i32
      %dma_start3A_172 = arith.constant 0 : i32
      %dma_start3A_173 = tpu.memref_slice %arg6[%dma_start3A_162, %dma_start3A_171, %dma_start3A_172] : memref<4x16x1024xf32, #tpu.memory_space<vmem>> -> memref<1x16x1024xf32, #tpu.memory_space<vmem>>
      %dma_start3A_174 = tpu.memref_squeeze %dma_start3A_173 : memref<1x16x1024xf32, #tpu.memory_space<vmem>> -> memref<16x1024xf32, #tpu.memory_space<vmem>>
      tpu.enqueue_dma source(%dma_start3A_174 : memref<16x1024xf32, #tpu.memory_space<vmem>>) target(%dma_start3A_170 : memref<16x1024xf32, #tpu.memory_space<hbm>>) target_semaphore(%arg8 : memref<!tpu.dma_semaphore, #tpu.memory_space<semaphore_mem>>)
      %sub3A_175 = arith.constant 1 : i32
      %sub3A_176 = arith.subi %add3A_147, %sub3A_175 : i32
      %add3A_177 = arith.constant 4 : i32
      %add3A_178 = arith.addi %add3A_147, %add3A_177 : i32
      %sub3A_179 = arith.constant 1 : i32
      %sub3A_180 = arith.subi %add3A_178, %sub3A_179 : i32
      %ge3A_181 = arith.constant 0 : i32
      %ge3A_182 = arith.cmpi sge, %sub3A_176, %ge3A_181 : i32
      %convert_element_type3A_183 = arith.extui %ge3A_182 : i1 to i32
      %cond3A_184 = arith.constant 0 : i32
      %cond3A_185 = arith.cmpi ne, %convert_element_type3A_183, %cond3A_184 : i32
      scf.if %cond3A_185 {
        %mul3A_236 = arith.constant 16 : i32
        %mul3A_237 = arith.muli %sub3A_176, %mul3A_236 : i32
        %add3A_238 = arith.addi %mul3A_2, %mul3A_237 : i32
        %dma_wait3A_239 = arith.constant 1 : i32
        %dma_wait3A_240 = arith.constant 0 : i32
        %dma_wait3A_241 = arith.constant 0 : i32
        %dma_wait3A_242 = tpu.memref_slice %arg6[%dma_wait3A_239, %dma_wait3A_240, %dma_wait3A_241] : memref<4x16x1024xf32, #tpu.memory_space<vmem>> -> memref<1x16x1024xf32, #tpu.memory_space<vmem>>
        %dma_wait3A_243 = tpu.memref_squeeze %dma_wait3A_242 : memref<1x16x1024xf32, #tpu.memory_space<vmem>> -> memref<16x1024xf32, #tpu.memory_space<vmem>>
        %dma_wait3A_244 = arith.constant 0 : i32
        %dma_wait3A_245 = tpu.memref_slice %arg4[%add3A_238, %dma_wait3A_244] : memref<32768x1024xf32, #tpu.memory_space<hbm>> -> memref<16x1024xf32, #tpu.memory_space<hbm>>
        %dma_wait3A_246 = arith.constant 0 : i32
        %dma_wait3A_247 = tpu.memref_slice %arg4[%add3A_238, %dma_wait3A_246] : memref<32768x1024xf32, #tpu.memory_space<hbm>> -> memref<16x1024xf32, #tpu.memory_space<hbm>>
        %dma_wait3A_248 = arith.constant 0 : i32
        %dma_wait3A_249 = arith.constant 0 : i32
        %dma_wait3A_250 = tpu.memref_slice %arg6[%dma_wait3A_239, %dma_wait3A_248, %dma_wait3A_249] : memref<4x16x1024xf32, #tpu.memory_space<vmem>> -> memref<1x16x1024xf32, #tpu.memory_space<vmem>>
        %dma_wait3A_251 = tpu.memref_squeeze %dma_wait3A_250 : memref<1x16x1024xf32, #tpu.memory_space<vmem>> -> memref<16x1024xf32, #tpu.memory_space<vmem>>
        tpu.wait_dma2 semaphore(%arg8 : memref<!tpu.dma_semaphore, #tpu.memory_space<semaphore_mem>>) src(%dma_wait3A_251 : memref<16x1024xf32, #tpu.memory_space<vmem>>) dst(%dma_wait3A_247 : memref<16x1024xf32, #tpu.memory_space<hbm>>)
      } else {
      }
      %lt3A_186 = arith.constant 64 : i32
      %lt3A_187 = arith.cmpi slt, %sub3A_180, %lt3A_186 : i32
      %convert_element_type3A_188 = arith.extui %lt3A_187 : i1 to i32
      %cond3A_189 = arith.constant 0 : i32
      %cond3A_190 = arith.cmpi ne, %convert_element_type3A_188, %cond3A_189 : i32
      scf.if %cond3A_190 {
        %dma_start3A_236 = arith.constant 1 : i32
        %dma_start3A_237 = arith.constant 0 : i32
        %dma_start3A_238 = arith.constant 0 : i32
        %dma_start3A_239 = tpu.memref_slice %arg6[%dma_start3A_236, %dma_start3A_237, %dma_start3A_238] : memref<4x16x1024xf32, #tpu.memory_space<vmem>> -> memref<1x16x1024xf32, #tpu.memory_space<vmem>>
        %dma_start3A_240 = tpu.memref_squeeze %dma_start3A_239 : memref<1x16x1024xf32, #tpu.memory_space<vmem>> -> memref<16x1024xf32, #tpu.memory_space<vmem>>
        %dma_start3A_241 = arith.constant 0 : i32
        %dma_start3A_242 = tpu.memref_slice %arg5[%sub3A_180, %dma_start3A_241] : memref<64x16xi32, #tpu.memory_space<vmem>> -> memref<1x16xi32, #tpu.memory_space<vmem>>
        %dma_start3A_243 = tpu.memref_squeeze %dma_start3A_242 : memref<1x16xi32, #tpu.memory_space<vmem>> -> memref<16xi32, #tpu.memory_space<vmem>>
        %dma_start3A_244 = arith.constant 0 : i32
        %dma_start3A_245 = arith.constant 0 : i32
        %dma_start3A_246 = tpu.memref_slice %arg2[%dma_start3A_244, %dma_start3A_245] : memref<8192x1024xf32, #tpu.memory_space<hbm>> -> memref<8192x1024xf32, #tpu.memory_space<hbm>>
        tpu.enqueue_indirect_dma source(%dma_start3A_246 : memref<8192x1024xf32, #tpu.memory_space<hbm>>) target(%dma_start3A_240 : memref<16x1024xf32, #tpu.memory_space<vmem>>) offsets(%dma_start3A_243 : memref<16xi32, #tpu.memory_space<vmem>>) semaphore(%arg7 : memref<!tpu.dma_semaphore, #tpu.memory_space<semaphore_mem>>)
      } else {
      }
      %add3A_191 = arith.constant 3 : i32
      %add3A_192 = arith.addi %add3A_60, %add3A_191 : i32
      %dma_wait3A_193 = arith.constant 3 : i32
      %dma_wait3A_194 = arith.constant 0 : i32
      %dma_wait3A_195 = arith.constant 0 : i32
      %dma_wait3A_196 = tpu.memref_slice %arg6[%dma_wait3A_193, %dma_wait3A_194, %dma_wait3A_195] : memref<4x16x1024xf32, #tpu.memory_space<vmem>> -> memref<1x16x1024xf32, #tpu.memory_space<vmem>>
      %dma_wait3A_197 = tpu.memref_squeeze %dma_wait3A_196 : memref<1x16x1024xf32, #tpu.memory_space<vmem>> -> memref<16x1024xf32, #tpu.memory_space<vmem>>
      %dma_wait3A_198 = arith.constant 0 : i32
      %dma_wait3A_199 = tpu.memref_slice %arg5[%add3A_192, %dma_wait3A_198] : memref<64x16xi32, #tpu.memory_space<vmem>> -> memref<1x16xi32, #tpu.memory_space<vmem>>
      %dma_wait3A_200 = tpu.memref_squeeze %dma_wait3A_199 : memref<1x16xi32, #tpu.memory_space<vmem>> -> memref<16xi32, #tpu.memory_space<vmem>>
      %dma_wait3A_201 = arith.constant 0 : i32
      %dma_wait3A_202 = arith.constant 0 : i32
      %dma_wait3A_203 = tpu.memref_slice %arg2[%dma_wait3A_201, %dma_wait3A_202] : memref<8192x1024xf32, #tpu.memory_space<hbm>> -> memref<8192x1024xf32, #tpu.memory_space<hbm>>
      tpu.wait_indirect_dma semaphore(%arg7 : memref<!tpu.dma_semaphore, #tpu.memory_space<semaphore_mem>>) src(%dma_wait3A_203 : memref<8192x1024xf32, #tpu.memory_space<hbm>>) dst(%dma_wait3A_197 : memref<16x1024xf32, #tpu.memory_space<vmem>>)
      %mul3A_204 = arith.constant 16 : i32
      %mul3A_205 = arith.muli %add3A_192, %mul3A_204 : i32
      %add3A_206 = arith.addi %mul3A_2, %mul3A_205 : i32
      %dma_start3A_207 = arith.constant 3 : i32
      %dma_start3A_208 = arith.constant 0 : i32
      %dma_start3A_209 = arith.constant 0 : i32
      %dma_start3A_210 = tpu.memref_slice %arg6[%dma_start3A_207, %dma_start3A_208, %dma_start3A_209] : memref<4x16x1024xf32, #tpu.memory_space<vmem>> -> memref<1x16x1024xf32, #tpu.memory_space<vmem>>
      %dma_start3A_211 = tpu.memref_squeeze %dma_start3A_210 : memref<1x16x1024xf32, #tpu.memory_space<vmem>> -> memref<16x1024xf32, #tpu.memory_space<vmem>>
      %dma_start3A_212 = arith.constant 0 : i32
      %dma_start3A_213 = tpu.memref_slice %arg4[%add3A_206, %dma_start3A_212] : memref<32768x1024xf32, #tpu.memory_space<hbm>> -> memref<16x1024xf32, #tpu.memory_space<hbm>>
      %dma_start3A_214 = arith.constant 0 : i32
      %dma_start3A_215 = tpu.memref_slice %arg4[%add3A_206, %dma_start3A_214] : memref<32768x1024xf32, #tpu.memory_space<hbm>> -> memref<16x1024xf32, #tpu.memory_space<hbm>>
      %dma_start3A_216 = arith.constant 0 : i32
      %dma_start3A_217 = arith.constant 0 : i32
      %dma_start3A_218 = tpu.memref_slice %arg6[%dma_start3A_207, %dma_start3A_216, %dma_start3A_217] : memref<4x16x1024xf32, #tpu.memory_space<vmem>> -> memref<1x16x1024xf32, #tpu.memory_space<vmem>>
      %dma_start3A_219 = tpu.memref_squeeze %dma_start3A_218 : memref<1x16x1024xf32, #tpu.memory_space<vmem>> -> memref<16x1024xf32, #tpu.memory_space<vmem>>
      tpu.enqueue_dma source(%dma_start3A_219 : memref<16x1024xf32, #tpu.memory_space<vmem>>) target(%dma_start3A_215 : memref<16x1024xf32, #tpu.memory_space<hbm>>) target_semaphore(%arg8 : memref<!tpu.dma_semaphore, #tpu.memory_space<semaphore_mem>>)
      %sub3A_220 = arith.constant 1 : i32
      %sub3A_221 = arith.subi %add3A_192, %sub3A_220 : i32
      %add3A_222 = arith.constant 4 : i32
      %add3A_223 = arith.addi %add3A_192, %add3A_222 : i32
      %sub3A_224 = arith.constant 1 : i32
      %sub3A_225 = arith.subi %add3A_223, %sub3A_224 : i32
      %ge3A_226 = arith.constant 0 : i32
      %ge3A_227 = arith.cmpi sge, %sub3A_221, %ge3A_226 : i32
      %convert_element_type3A_228 = arith.extui %ge3A_227 : i1 to i32
      %cond3A_229 = arith.constant 0 : i32
      %cond3A_230 = arith.cmpi ne, %convert_element_type3A_228, %cond3A_229 : i32
      scf.if %cond3A_230 {
        %mul3A_236 = arith.constant 16 : i32
        %mul3A_237 = arith.muli %sub3A_221, %mul3A_236 : i32
        %add3A_238 = arith.addi %mul3A_2, %mul3A_237 : i32
        %dma_wait3A_239 = arith.constant 2 : i32
        %dma_wait3A_240 = arith.constant 0 : i32
        %dma_wait3A_241 = arith.constant 0 : i32
        %dma_wait3A_242 = tpu.memref_slice %arg6[%dma_wait3A_239, %dma_wait3A_240, %dma_wait3A_241] : memref<4x16x1024xf32, #tpu.memory_space<vmem>> -> memref<1x16x1024xf32, #tpu.memory_space<vmem>>
        %dma_wait3A_243 = tpu.memref_squeeze %dma_wait3A_242 : memref<1x16x1024xf32, #tpu.memory_space<vmem>> -> memref<16x1024xf32, #tpu.memory_space<vmem>>
        %dma_wait3A_244 = arith.constant 0 : i32
        %dma_wait3A_245 = tpu.memref_slice %arg4[%add3A_238, %dma_wait3A_244] : memref<32768x1024xf32, #tpu.memory_space<hbm>> -> memref<16x1024xf32, #tpu.memory_space<hbm>>
        %dma_wait3A_246 = arith.constant 0 : i32
        %dma_wait3A_247 = tpu.memref_slice %arg4[%add3A_238, %dma_wait3A_246] : memref<32768x1024xf32, #tpu.memory_space<hbm>> -> memref<16x1024xf32, #tpu.memory_space<hbm>>
        %dma_wait3A_248 = arith.constant 0 : i32
        %dma_wait3A_249 = arith.constant 0 : i32
        %dma_wait3A_250 = tpu.memref_slice %arg6[%dma_wait3A_239, %dma_wait3A_248, %dma_wait3A_249] : memref<4x16x1024xf32, #tpu.memory_space<vmem>> -> memref<1x16x1024xf32, #tpu.memory_space<vmem>>
        %dma_wait3A_251 = tpu.memref_squeeze %dma_wait3A_250 : memref<1x16x1024xf32, #tpu.memory_space<vmem>> -> memref<16x1024xf32, #tpu.memory_space<vmem>>
        tpu.wait_dma2 semaphore(%arg8 : memref<!tpu.dma_semaphore, #tpu.memory_space<semaphore_mem>>) src(%dma_wait3A_251 : memref<16x1024xf32, #tpu.memory_space<vmem>>) dst(%dma_wait3A_247 : memref<16x1024xf32, #tpu.memory_space<hbm>>)
      } else {
      }
      %lt3A_231 = arith.constant 64 : i32
      %lt3A_232 = arith.cmpi slt, %sub3A_225, %lt3A_231 : i32
      %convert_element_type3A_233 = arith.extui %lt3A_232 : i1 to i32
      %cond3A_234 = arith.constant 0 : i32
      %cond3A_235 = arith.cmpi ne, %convert_element_type3A_233, %cond3A_234 : i32
      scf.if %cond3A_235 {
        %dma_start3A_236 = arith.constant 2 : i32
        %dma_start3A_237 = arith.constant 0 : i32
        %dma_start3A_238 = arith.constant 0 : i32
        %dma_start3A_239 = tpu.memref_slice %arg6[%dma_start3A_236, %dma_start3A_237, %dma_start3A_238] : memref<4x16x1024xf32, #tpu.memory_space<vmem>> -> memref<1x16x1024xf32, #tpu.memory_space<vmem>>
        %dma_start3A_240 = tpu.memref_squeeze %dma_start3A_239 : memref<1x16x1024xf32, #tpu.memory_space<vmem>> -> memref<16x1024xf32, #tpu.memory_space<vmem>>
        %dma_start3A_241 = arith.constant 0 : i32
        %dma_start3A_242 = tpu.memref_slice %arg5[%sub3A_225, %dma_start3A_241] : memref<64x16xi32, #tpu.memory_space<vmem>> -> memref<1x16xi32, #tpu.memory_space<vmem>>
        %dma_start3A_243 = tpu.memref_squeeze %dma_start3A_242 : memref<1x16xi32, #tpu.memory_space<vmem>> -> memref<16xi32, #tpu.memory_space<vmem>>
        %dma_start3A_244 = arith.constant 0 : i32
        %dma_start3A_245 = arith.constant 0 : i32
        %dma_start3A_246 = tpu.memref_slice %arg2[%dma_start3A_244, %dma_start3A_245] : memref<8192x1024xf32, #tpu.memory_space<hbm>> -> memref<8192x1024xf32, #tpu.memory_space<hbm>>
        tpu.enqueue_indirect_dma source(%dma_start3A_246 : memref<8192x1024xf32, #tpu.memory_space<hbm>>) target(%dma_start3A_240 : memref<16x1024xf32, #tpu.memory_space<vmem>>) offsets(%dma_start3A_243 : memref<16xi32, #tpu.memory_space<vmem>>) semaphore(%arg7 : memref<!tpu.dma_semaphore, #tpu.memory_space<semaphore_mem>>)
      } else {
      }
    }
    %scan3A_41 = arith.constant 16 : i32
    %add3A_42 = arith.constant 1008 : i32
    %add3A_43 = arith.addi %mul3A_2, %add3A_42 : i32
    %dma_wait3A = arith.constant 3 : i32
    %dma_wait3A_44 = arith.constant 0 : i32
    %dma_wait3A_45 = arith.constant 0 : i32
    %dma_wait3A_46 = tpu.memref_slice %arg6[%dma_wait3A, %dma_wait3A_44, %dma_wait3A_45] : memref<4x16x1024xf32, #tpu.memory_space<vmem>> -> memref<1x16x1024xf32, #tpu.memory_space<vmem>>
    %dma_wait3A_47 = tpu.memref_squeeze %dma_wait3A_46 : memref<1x16x1024xf32, #tpu.memory_space<vmem>> -> memref<16x1024xf32, #tpu.memory_space<vmem>>
    %dma_wait3A_48 = arith.constant 0 : i32
    %dma_wait3A_49 = tpu.memref_slice %arg4[%add3A_43, %dma_wait3A_48] : memref<32768x1024xf32, #tpu.memory_space<hbm>> -> memref<16x1024xf32, #tpu.memory_space<hbm>>
    %dma_wait3A_50 = arith.constant 0 : i32
    %dma_wait3A_51 = tpu.memref_slice %arg4[%add3A_43, %dma_wait3A_50] : memref<32768x1024xf32, #tpu.memory_space<hbm>> -> memref<16x1024xf32, #tpu.memory_space<hbm>>
    %dma_wait3A_52 = arith.constant 0 : i32
    %dma_wait3A_53 = arith.constant 0 : i32
    %dma_wait3A_54 = tpu.memref_slice %arg6[%dma_wait3A, %dma_wait3A_52, %dma_wait3A_53] : memref<4x16x1024xf32, #tpu.memory_space<vmem>> -> memref<1x16x1024xf32, #tpu.memory_space<vmem>>
    %dma_wait3A_55 = tpu.memref_squeeze %dma_wait3A_54 : memref<1x16x1024xf32, #tpu.memory_space<vmem>> -> memref<16x1024xf32, #tpu.memory_space<vmem>>
    tpu.wait_dma2 semaphore(%arg8 : memref<!tpu.dma_semaphore, #tpu.memory_space<semaphore_mem>>) src(%dma_wait3A_55 : memref<16x1024xf32, #tpu.memory_space<vmem>>) dst(%dma_wait3A_51 : memref<16x1024xf32, #tpu.memory_space<hbm>>)
    return
  }
}

</mosaic_0001>

<sc_bundles>
// kernel: kernel.3.cloned.1.call-start
scs
__scs_entry_jumppad:
0x0: {  	(pc) =	sbr.rel $0x88, $3  }
0x1: {  	(tag) =	ssettag $0x0;
	lr =	simm.s32 $0x1  }
0x2: {  	[smem:$0x3F9F] =	sst lr;
	_ =	strace $0xD0000000  }
0x3: {  	_ = 	snop  }
0x4: {  	_ = 	snop  }
0x5: {  	_ = 	snop  }
0x6: {  	_ = 	snop  }
0x7: {  	_ = 	snop  }
__scs_overlays_trampoline_lowered:
0x8: {  	[smem:$0x3FAE] =	sst s0  }
0x9: {  	[smem:$0x3FAF] =	sst s1  }
0xa: {  	[smem:$0x3FB0] =	sst s2  }
0xb: {  	[smem:$0x3FB1] =	sst s3  }
0xc: {  	[smem:$0x3FB2] =	sst s4  }
0xd: {  	[smem:$0x3FB3] =	sst s5  }
0xe: {  	[smem:$0x3FB4] =	sst s6  }
0xf: {  	[smem:$0x3FB5] =	sst s7  }
0x10: {  	[smem:$0x3FB6] =	sst s8  }
0x11: {  	[smem:$0x3FB7] =	sst s9;
	s0 =	simm.s32 @!p0 $0x0  }
0x12: {  	s1 =	sld [smem:$0x3F9D];
	s0 =	simm.s32 @p0 $0x1  }
0x13: {  	[smem:$0x3FB8] =	sst s0;
	s0 =	simm.s32 @!p1 $0x0  }
0x14: {  	s2 =	sld [smem:$0x3F9C];
	s0 =	simm.s32 @p1 $0x1  }
0x15: {  	[smem:$0x3FB9] =	sst s0;
	s0 =	simm.s32 @!p2 $0x0  }
0x16: {  	s3 =	sld [smem:$0x3FDB];
	s0 =	simm.s32 @p2 $0x1  }
0x17: {  	s4 =	simm.s32 $0x1BF5;
	[smem:$0x3FBB] =	sst s0  }
0x18: {  	s0 =	sld [smem:$0x3F9E];
	_ =	swait.ge [sflag:s4], $0x0  }
0x19: {  	s7 =	sld [smem:$0x3F9F]  }
0x1a: {  	s8 =	sadd.s32 $0xFFFFE003, lr  }
0x1b: {  	s9 =	sadd.s32 $0xFFFFFEF7, lr;
	s5 =	simm.s32 $0xFFFFFFFF;
	p2 =	slt.u32 s8, $0xFFFFF086  }
0x1c: {  	p1 =	slt.u32 s9, $0xF7A;
	s5 =	simm.s32 @!p2 $0x0  }
0x1d: {  	s5 =	simm.s32 @p1 $0x1;
	p0 =	seq.s32 s7, s2  }
0x1e: {  	s7 =	smul.u32 @!p0 $0xF7A, s2;
	p2 =	seq.s32 @!p0 s5, $0x0  }
0x1f: {  	s9 =	smul.u32 $0xF7A, s1;
	s8 =	simm.s32 @!p0 $0x1BF5;
	p2 =	por !p2, p0  }
0x20: {  	[sflag:s8] =	ssyncset.s32 @!p0 $0xFFFFF086;
	s6 =	sadd.s32 @!p0 s3, s7;
	s7 =	simm.s32 @!p0 $0x108  }
0x21: {  	s3 =	sadd.s32 s3, s9;
	s6 =	sadd.s32 @!p0 $0x88, s6;
	s7 =	simm.s32 @p2 $0x1082  }
0x22: {  	[simem:s7], [sflag:s8] =	dma.local @!p0 [hbm:s6], $0xF7A  }
0x23: {  	s9 =	sor.u32 $0xD0000000, s2;
	s6 =	simm.s32 $0x108;
	_ =	swait.ge @!p0 [sflag:s8], $0x0  }
0x24: {  	s3 =	sadd.s32 $0x88, s3;
	s6 =	simm.s32 @!p1 $0x1082;
	[sflag:s4] =	ssyncset.s32 $0xFFFFF086  }
0x25: {  	[simem:s6], [sflag:s4] =	dma.local [hbm:s3], $0xF7A  }
0x26: {  	[smem:$0x3F9F] =	sst s1;
	(tag) =	ssettag s2;
	_ =	strace s9  }
0x27: {  	s1 =	sld [smem:$0x3FAF]  }
0x28: {  	s2 =	sld [smem:$0x3FB0]  }
0x29: {  	s4 =	sld [smem:$0x3FB2]  }
0x2a: {  	p0 =	seq.s32 s5, $0x0;
	s5 =	sld [smem:$0x3FB3]  }
0x2b: {  	s6 =	sld [smem:$0x3FB4]  }
0x2c: {  	s7 =	sld [smem:$0x3FB5]  }
0x2d: {  	s3 =	simm.s32 $0x108;
	s8 =	sld [smem:$0x3FB6]  }
0x2e: {  	s3 =	simm.s32 @!p0 $0x1082;
	s9 =	sld [smem:$0x3FB7]  }
0x2f: {  	lr =	sadd.s32 s0, s3;
	s0 =	sld [smem:$0x3FAE]  }
0x30: {  	s3 =	sld [smem:$0x3FB1]  }
0x31: {  	[smem:$0x3FBA] =	sst s10  }
0x32: {  	s10 =	sld [smem:$0x3FB8];
	_ =	sdelay $0x3  }
0x33: {  	p0 =	seq.s32 s10, $0x1;
	s10 =	sld [smem:$0x3FBA];
	_ =	sdelay $0x3  }
0x34: {  	[smem:$0x3FBA] =	sst s10  }
0x35: {  	s10 =	sld [smem:$0x3FB9];
	_ =	sdelay $0x3  }
0x36: {  	p1 =	seq.s32 s10, $0x1;
	s10 =	sld [smem:$0x3FBA];
	_ =	sdelay $0x3  }
0x37: {  	[smem:$0x3FBA] =	sst s10  }
0x38: {  	s10 =	sld [smem:$0x3FBB]  }
0x39: {  	_ = 	snop;
	(pc) =	sbr.ind lr, $3  }
0x3a: {  	_ = 	snop  }
0x3b: {  	_ = 	snop  }
0x3c: {  	p2 =	seq.s32 s10, $0x1;
	s10 =	sld [smem:$0x3FBA]  }
0x3d: {  	_ =	shalt  }
0x3e: {  	_ =	shalt  }
0x3f: {  	_ =	shalt  }
0x40: {  	_ =	shalt  }
0x41: {  	_ =	shalt  }
0x42: {  	_ =	shalt  }
0x43: {  	_ =	shalt  }
0x44: {  	_ =	shalt  }
0x45: {  	_ =	shalt  }
0x46: {  	_ =	shalt  }
0x47: {  	_ =	shalt  }
0x48: {  	_ =	shalt  }
0x49: {  	_ =	shalt  }
0x4a: {  	_ =	shalt  }
0x4b: {  	_ =	shalt  }
0x4c: {  	_ =	shalt  }
0x4d: {  	_ =	shalt  }
0x4e: {  	_ =	shalt  }
0x4f: {  	_ =	shalt  }
0x50: {  	_ =	shalt  }
0x51: {  	_ =	shalt  }
0x52: {  	_ =	shalt  }
0x53: {  	_ =	shalt  }
0x54: {  	_ =	shalt  }
0x55: {  	_ =	shalt  }
0x56: {  	_ =	shalt  }
0x57: {  	_ =	shalt  }
0x58: {  	_ =	shalt  }
0x59: {  	_ =	shalt  }
0x5a: {  	_ =	shalt  }
0x5b: {  	_ =	shalt  }
0x5c: {  	_ =	shalt  }
0x5d: {  	_ =	shalt  }
0x5e: {  	_ =	shalt  }
0x5f: {  	_ =	shalt  }
0x60: {  	_ =	shalt  }
0x61: {  	_ =	shalt  }
0x62: {  	_ =	shalt  }
0x63: {  	_ =	shalt  }
0x64: {  	_ =	shalt  }
0x65: {  	_ =	shalt  }
0x66: {  	_ =	shalt  }
0x67: {  	_ =	shalt  }
0x68: {  	_ =	shalt  }
0x69: {  	_ =	shalt  }
0x6a: {  	_ =	shalt  }
0x6b: {  	_ =	shalt  }
0x6c: {  	_ =	shalt  }
0x6d: {  	_ =	shalt  }
0x6e: {  	_ =	shalt  }
0x6f: {  	_ =	shalt  }
0x70: {  	_ =	shalt  }
0x71: {  	_ =	shalt  }
0x72: {  	_ =	shalt  }
0x73: {  	_ =	shalt  }
0x74: {  	_ =	shalt  }
0x75: {  	_ =	shalt  }
0x76: {  	_ =	shalt  }
0x77: {  	_ =	shalt  }
0x78: {  	_ =	shalt  }
0x79: {  	_ =	shalt  }
0x7a: {  	_ =	shalt  }
0x7b: {  	_ =	shalt  }
0x7c: {  	_ =	shalt  }
0x7d: {  	_ =	shalt  }
0x7e: {  	_ =	shalt  }
0x7f: {  	_ =	shalt  }
0x80: {  	_ =	shalt  }
0x81: {  	_ =	shalt  }
0x82: {  	_ =	shalt  }
0x83: {  	_ =	shalt  }
0x84: {  	_ =	shalt  }
0x85: {  	_ =	shalt  }
0x86: {  	_ =	shalt  }
0x87: {  	_ =	shalt  }
.Lfunc_end0:
.L_simem_size_0:
called_computation_lowered:
.L_overlay_start_0:
0x88: {  	s2 =	sld [smem:$0x3FD9]  }
0x89: {  	s3 =	sld [smem:$0x3FFE];
	_ =	sdelay $0x1  }
0x8a: {  	s1 =	srdreg.scid  }
0x8b: {  	s0 =	sand.u32 $0x1, s1  }
0x8c: {  	s17 =	sshll.u32 s0, $0xA;
	s2 =	sadd.s32 s3, s2  }
0x8d: {  	s2 =	sadd.s32 s2, s17  }
0x8e: {  	[smem:$0x3FC6] =	sst s2  }
0x8f: {  	_ = 	snop  }
0x90: {  	s2 =	sld [smem:$0x3FC8]  }
0x91: {  	s18 =	sld [smem:$0x3FD0];
	(tm) =	ssettm $0x1  }
0x92: {  	s4 =	sld [smem:$0x3FFB];
	_ =	sdelay $0x3  }
0x93: {  	_ =	strace s4  }
0x94: {  	s4 =	sld [smem:$0x3FFC];
	_ =	sdelay $0x3  }
0x95: {  	_ =	strace s4  }
0x96: {  	s4 =	sld [smem:$0x3FFD];
	_ =	sdelay $0x3  }
0x97: {  	_ =	strace s4  }
0x98: {  	_ =	strace $0x8FFFFFFF  }
0x99: {  	s19 =	sld [smem:$0x3FDB];
	_ =	sdelay $0x1  }
0x9a: {  	s5 =	simm.s32 $_scs_section_size  }
0x9b: {  	s6 =	simm.s32 $_size__tile_overlayer_lowered;
	s7 =	simm.s32 $_tile_overlayer_lowered  }
0x9c: {  	s22 =	simm.s32 $0x1BFF;
	s21 =	sshll.u32 s7, $0x1;
	s4 =	sadd.s32 s5, s19  }
0x9d: {  	s8 =	simm.s32 $0x0;
	s20 =	sshll.u32 s6, $0x1;
	s6 =	sadd.s32 s21, s4  }
0x9e: {  	[timem:s8], [sflag:s22] =	dma.local [hbm:s6], s20  }
0x9f: {  	_ =	swait.ge [sflag:s22], s20  }
0xa0: {  	s5 =	ssub.s32 $0x0, s20;
	[sflag:s22] =	ssyncset.done $0x0  }
0xa1: {  	[sflag:s22] =	ssyncadd.s32 s5;
	_ =	sdelay $0x1  }
0xa2: {  	s23 =	simm.s32 $0x1B8B  }
0xa3: {  	_ =	swait.ge [sflag:s23], $0x1  }
0xa4: {  	[sflag:s23] =	ssyncset.done $0x0  }
0xa5: {  	s25 =	simm.s32 $0x1B8E;
	s24 =	sld [smem:$0x3FFE];
	[sflag:s23] =	ssyncadd.s32 $0xFFFFFFFF  }
0xa6: {  	s26 =	simm.s32 $execute0_lowered;
	[smem:$0x3FD2] =	sst s25  }
0xa7: {  	s6 =	sshll.u32 s26, $0x1;
	_ =	strace $0x80000046;
	[dreg:$0x1] =	wrdreg $0xFFFFFFFF  }
0xa8: {  	s28 =	simm.s32 $_size_execute0_lowered;
	s4 =	sadd.s32 s4, s6;
	[dreg:$0x0] =	wrdreg $0x0  }
0xa9: {  	s6 =	sshll.u32 s28, $0x1;
	[dreg:$0x2] =	wrdreg s4  }
0xaa: {  	[dreg:$0x3] =	wrdreg s6  }
0xab: {  	[dreg:$0x4] =	wrdreg $0xC0  }
0xac: {  	_ =	task [dreg:s8], $0x5FFFF  }
0xad: {  	[dreg:$0x1] =	wrdreg $0xFFFFFFFF  }
0xae: {  	[dreg:$0x0] =	wrdreg $0x60  }
0xaf: {  	[dreg:$0x2] =	wrdreg s2  }
0xb0: {  	[dreg:$0x3] =	wrdreg s24  }
0xb1: {  	[dreg:$0x4] =	wrdreg s18  }
0xb2: {  	[dreg:$0x5] =	wrdreg $0x9  }
0xb3: {  	_ =	task.clear_ibuf [dreg:s8], $0x6FFFF;
	_ =	strace $0x90000046  }
0xb4: {  	s29 =	simm.s32 $0x9;
	_ =	strace $0x80000048  }
0xb5: {  	_ =	swait.ge [sflag:s29], $0x1  }
0xb6: {  	[sflag:s29] =	ssyncadd.s32 $0xFFFFFFFF  }
0xb7: {  	_ =	strace $0x90000048  }
0xb8: {  	_ =	sfence  }
0xb9: {  	s30 =	sld [smem:$0x0];
	_ =	sdelay $0x2  }
0xba: {  	s31 =	sshll.u32 s1, $0xD;
	s1 =	sshrl.u32 s1, $0x2  }
0xbb: {  	s3 =	sand.u32 $0x4000, s31;
	s1 =	sadd.s32 s1, s30  }
0xbc: {  	s0 =	sor.u32 s3, s0;
	s1 =	sshll.u32 s1, $0x11  }
0xbd: {  	s0 =	sor.u32 s1, s0  }
0xbe: {  	s0 =	sadd.s32 $0x8F2B, s0  }
0xbf: {  	[sflag:s0] =	ssyncadd.remote.s32 $0x1  }
0xc0: {  	_ =	sfence.sel $0xFFFF  }
0xc1: {  	[dreg:$0x0] =	wrdreg $0xFFFFFFFF;
	(pc) =	sbr.abs _section_cstart, $3  }
0xc2: {  	[dreg:$0x1] =	wrdreg $0xFFFFFFFF  }
0xc3: {  	_ =	task.clear_ibuf [dreg:s8], $0x2FFFF;
	_ =	strace $0x9FFFFFFF  }
0xc4: {  	(tm) =	ssettm $0x7FFFFFFF  }
0xc5: {  	_ =	shalt  }
tec
execute0_lowered:
.L_overlay_start_1:
0x0: {  	(tag) =	ssettag $0x1  }
0x1: {  	s1 =	rddreg [dreg:$0x0]  }
0x2: {  	s0 =	rddreg [dreg:$0x1]  }
0x3: {  	s2 =	rddreg [dreg:$0x2];
	s4 =	srdreg.scid  }
0x4: {  	s3 =	simm.s32 $0x0;
	s9 =	stileid.u32;
	s11 =	simm.s32 $0x2000  }
0x5: {  	s19 =	simm.s32 $0x6000;
	s28 =	simm.s32 $0xA000;
	s29 =	simm.s32 $0xA800  }
0x6: {  	s30 =	simm.s32 $0xB000;
	s31 =	simm.s32 $0xB800;
	s12 =	simm.s32 $0xD000  }
0x7: {  	s13 =	simm.s32 $0xD800;
	s14 =	simm.s32 $0x1;
	s15 =	simm.s32 $0xE000  }
0x8: {  	s16 =	simm.s32 $0xE800;
	s17 =	simm.s32 $0xF000;
	s18 =	simm.s32 $0xF800  }
0x9: {  	s20 =	simm.s32 $0x10000;
	s21 =	simm.s32 $0x10800;
	s22 =	simm.s32 $0x11000  }
0xa: {  	s4 =	sand.u32 $0x1, s4;
	s5 =	sshll.u32 s9, $0xB;
	[smem:$0x7FF] =	sst s3  }
0xb: {  	s24 =	sshll.u32 s9, $0x12;
	s6 =	sshll.u32 s4, $0xA;
	s7 =	ssub.s32 $0x2, s4  }
0xc: {  	_ =	strace $0x80000047;
	s25 =	sshll.u32 s4, $0x11;
	s5 =	sor.u32 s6, s5  }
0xd: {  	s23 =	sshrl.u32 s7, $0x1;
	s6 =	sadd.s32 $0x200, s1;
	s0 =	sadd.s32 s5, s0  }
.Ltmp0:
0xe: {  	s8 =	ssub.s32 s7, s23;
	s5 =	sadd.s32 $0x100, s1;
	(pc) =	sbr.rel .LBB2_1-.Ltmp0, $4  }
0xf: {  	s7 =	sadd.s32 $0x300, s1;
	s23 =	simm.s32 $0x11800;
	s0 =	sadd.s32 $0x400, s0  }
0x10: {  	v2 =	vlaneseq.u32;
	s26 =	smax.u32 s8, $0x1;
	s8 =	simm.s32 $0x0;
	[dreg:$0x4] =	wrdreg s0  }
0x11: {  	vm0 =	vmmov $0xffff;
	v1 =	vshrl.u32 v2, $0x3;
	s0 =	sadd.s32 s24, s2;
	[dreg:$0x5] =	wrdreg s26;
	s2 =	simm.s32 $0xC800  }
0x12: {  	v0 =	vand.u32 $0x7, v2;
	v2 =	vor.u32 $0x8, v2;
	v1 =	vmul.u32 $0x8, v1;
	s24 =	simm.s32 $0x2;
	s9 =	sadd.s32 s25, s0;
	s0 =	simm.s32 $0xC000  }
.LBB2_4:
0x13: {  	_ =	swait.ge [sflag:s24], $0x4000  }
0x14: {  	s8 =	rddreg [dreg:$0x6]  }
0x15: {  	s4 =	rddreg [dreg:$0x5];
	s8 =	sadd.s32 $0x1, s8  }
0x16: {  	p0 =	sne.s32 s8, s4  }
.Ltmp1:
0x17: {  	_ = 	snop;
	(pc) =	sbr.rel @!p0 .LBB2_5-.Ltmp1, $3  }
0x18: {  	_ =	sdelay $0x1  }
0x19: {  	[sflag:s24] =	ssyncset.done $0x0  }
0x1a: {  	[sflag:s24] =	ssyncadd.s32 $0xFFFFC000  }
.LBB2_1:
0x1b: {  	[dreg:$0x6] =	wrdreg s8  }
0x1c: {  	s4 =	rddreg [dreg:$0x4];
	s10 =	simm.s32 $0x3  }
0x1d: {  	[tilespmem:s3], [sflag:$0x3] =	stream.linear.gather [hbm4b:s4+s3], $0x2000, $0x38;
	[tilespmem:$0x12000] =	vst v63  }
0x1e: {  	_ =	swait.ge [sflag:s10], $0x2000  }
0x1f: {  	[sflag:s10] =	ssyncset.done $0x0  }
0x20: {  	[sflag:s10] =	ssyncadd.s32 $0xFFFFE000  }
0x21: {  	v3 =	vld [tilespmem:$0x0];
	_ =	sdelay $0x4  }
0x22: {  	v4 =	vshll.u32 v3, $0x3  }
0x23: {  	v3 =	vand.u32 $0x7, v3;
	v4 =	vand.u32 $0xFFFFFFC0, v4  }
0x24: {  	v3 =	vor.u32 v3, v4  }
0x25: {  	v4 =	vperm.xlane v3, v0;
	_ =	sdelay $0x1  }
0x26: {  	v4 =	vadd.s32 v1, v4;
	_ =	sdelay $0x4  }
0x27: {  	[tilespmem:s11], [sflag:$0x1] =	stream.indirect_vreg.gather [hbm4b:s1+s3], $0x80, v4, vm0, $0xb8;
	[tilespmem:$0x12000] =	vst v63  }
0x28: {  	s25 =	simm.s32 $0x2800;
	v3 =	vperm.xlane v3, v2  }
0x29: {  	[tilespmem:s25], [sflag:$0x1] =	stream.indirect_vreg.gather [hbm4b:s5+s3], $0x80, v4, vm0, $0xb8;
	[tilespmem:$0x12000] =	vst v63  }
0x2a: {  	s26 =	simm.s32 $0x3000;
	v3 =	vadd.s32 v1, v3  }
0x2b: {  	[tilespmem:s26], [sflag:$0x1] =	stream.indirect_vreg.gather [hbm4b:s6+s3], $0x80, v4, vm0, $0xb8;
	[tilespmem:$0x12000] =	vst v63  }
0x2c: {  	s8 =	simm.s32 $0x3800  }
0x2d: {  	[tilespmem:s8], [sflag:$0x1] =	stream.indirect_vreg.gather [hbm4b:s7+s3], $0x80, v4, vm0, $0xb8;
	[tilespmem:$0x12000] =	vst v63  }
0x2e: {  	s10 =	simm.s32 $0x4000  }
0x2f: {  	[tilespmem:s10], [sflag:$0x1] =	stream.indirect_vreg.gather [hbm4b:s1+s3], $0x80, v3, vm0, $0xb8;
	[tilespmem:$0x12000] =	vst v63  }
0x30: {  	s25 =	simm.s32 $0x4800  }
0x31: {  	[tilespmem:s25], [sflag:$0x1] =	stream.indirect_vreg.gather [hbm4b:s5+s3], $0x80, v3, vm0, $0xb8;
	[tilespmem:$0x12000] =	vst v63  }
0x32: {  	s26 =	simm.s32 $0x5000  }
0x33: {  	[tilespmem:s26], [sflag:$0x1] =	stream.indirect_vreg.gather [hbm4b:s6+s3], $0x80, v3, vm0, $0xb8;
	[tilespmem:$0x12000] =	vst v63  }
0x34: {  	s8 =	simm.s32 $0x5800  }
0x35: {  	[tilespmem:s8], [sflag:$0x1] =	stream.indirect_vreg.gather [hbm4b:s7+s3], $0x80, v3, vm0, $0xb8;
	[tilespmem:$0x12000] =	vst v63  }
0x36: {  	v3 =	vld [tilespmem:$0x80];
	_ =	sdelay $0x4  }
0x37: {  	v62 =	vshll.u32 v3, $0x3  }
0x38: {  	v3 =	vand.u32 $0x7, v3;
	v4 =	vand.u32 $0xFFFFFFC0, v62  }
0x39: {  	v3 =	vor.u32 v3, v4  }
0x3a: {  	v4 =	vperm.xlane v3, v0;
	_ =	sdelay $0x1  }
0x3b: {  	v4 =	vadd.s32 v1, v4;
	_ =	sdelay $0x4  }
0x3c: {  	[tilespmem:s19], [sflag:$0x1] =	stream.indirect_vreg.gather [hbm4b:s1+s3], $0x80, v4, vm0, $0xb8;
	[tilespmem:$0x12000] =	vst v63  }
0x3d: {  	s10 =	simm.s32 $0x6800;
	v3 =	vperm.xlane v3, v2  }
0x3e: {  	[tilespmem:s10], [sflag:$0x1] =	stream.indirect_vreg.gather [hbm4b:s5+s3], $0x80, v4, vm0, $0xb8;
	[tilespmem:$0x12000] =	vst v63  }
0x3f: {  	s25 =	simm.s32 $0x7000;
	v3 =	vadd.s32 v1, v3  }
0x40: {  	[tilespmem:s25], [sflag:$0x1] =	stream.indirect_vreg.gather [hbm4b:s6+s3], $0x80, v4, vm0, $0xb8;
	[tilespmem:$0x12000] =	vst v63  }
0x41: {  	s26 =	simm.s32 $0x7800  }
0x42: {  	[tilespmem:s26], [sflag:$0x1] =	stream.indirect_vreg.gather [hbm4b:s7+s3], $0x80, v4, vm0, $0xb8;
	[tilespmem:$0x12000] =	vst v63  }
0x43: {  	s8 =	simm.s32 $0x8000  }
0x44: {  	[tilespmem:s8], [sflag:$0x1] =	stream.indirect_vreg.gather [hbm4b:s1+s3], $0x80, v3, vm0, $0xb8;
	[tilespmem:$0x12000] =	vst v63  }
0x45: {  	s10 =	simm.s32 $0x8800  }
0x46: {  	[tilespmem:s10], [sflag:$0x1] =	stream.indirect_vreg.gather [hbm4b:s5+s3], $0x80, v3, vm0, $0xb8;
	[tilespmem:$0x12000] =	vst v63  }
0x47: {  	s25 =	simm.s32 $0x9000  }
0x48: {  	[tilespmem:s25], [sflag:$0x1] =	stream.indirect_vreg.gather [hbm4b:s6+s3], $0x80, v3, vm0, $0xb8;
	[tilespmem:$0x12000] =	vst v63  }
0x49: {  	s26 =	simm.s32 $0x9800  }
0x4a: {  	[tilespmem:s26], [sflag:$0x1] =	stream.indirect_vreg.gather [hbm4b:s7+s3], $0x80, v3, vm0, $0xb8;
	[tilespmem:$0x12000] =	vst v63  }
0x4b: {  	v3 =	vld [tilespmem:$0x100];
	_ =	sdelay $0x4  }
0x4c: {  	v63 =	vshll.u32 v3, $0x3  }
0x4d: {  	v3 =	vand.u32 $0x7, v3;
	v4 =	vand.u32 $0xFFFFFFC0, v63  }
0x4e: {  	v3 =	vor.u32 v3, v4  }
0x4f: {  	v4 =	vperm.xlane v3, v0;
	_ =	sdelay $0x1  }
0x50: {  	v4 =	vadd.s32 v1, v4;
	_ =	sdelay $0x4  }
0x51: {  	[tilespmem:s28], [sflag:$0x1] =	stream.indirect_vreg.gather [hbm4b:s1+s3], $0x80, v4, vm0, $0xb8;
	[tilespmem:$0x12000] =	vst v63  }
0x52: {  	v3 =	vperm.xlane v3, v2  }
0x53: {  	[tilespmem:s29], [sflag:$0x1] =	stream.indirect_vreg.gather [hbm4b:s5+s3], $0x80, v4, vm0, $0xb8;
	[tilespmem:$0x12000] =	vst v63  }
0x54: {  	v3 =	vadd.s32 v1, v3  }
0x55: {  	[tilespmem:s30], [sflag:$0x1] =	stream.indirect_vreg.gather [hbm4b:s6+s3], $0x80, v4, vm0, $0xb8;
	[tilespmem:$0x12000] =	vst v63  }
0x56: {  	_ = 	snop  }
0x57: {  	[tilespmem:s31], [sflag:$0x1] =	stream.indirect_vreg.gather [hbm4b:s7+s3], $0x80, v4, vm0, $0xb8;
	[tilespmem:$0x12000] =	vst v63  }
0x58: {  	_ = 	snop  }
0x59: {  	[tilespmem:s0], [sflag:$0x1] =	stream.indirect_vreg.gather [hbm4b:s1+s3], $0x80, v3, vm0, $0xb8;
	[tilespmem:$0x12000] =	vst v63  }
0x5a: {  	_ = 	snop  }
0x5b: {  	[tilespmem:s2], [sflag:$0x1] =	stream.indirect_vreg.gather [hbm4b:s5+s3], $0x80, v3, vm0, $0xb8;
	[tilespmem:$0x12000] =	vst v63  }
0x5c: {  	_ = 	snop  }
0x5d: {  	[tilespmem:s12], [sflag:$0x1] =	stream.indirect_vreg.gather [hbm4b:s6+s3], $0x80, v3, vm0, $0xb8;
	[tilespmem:$0x12000] =	vst v63  }
0x5e: {  	s4 =	simm.s32 $0x0;
	s26 =	simm.s32 $0x300  }
0x5f: {  	[tilespmem:s13], [sflag:$0x1] =	stream.indirect_vreg.gather [hbm4b:s7+s3], $0x80, v3, vm0, $0xb8;
	[tilespmem:$0x12000] =	vst v63  }
.LBB2_2:
0x60: {  	_ =	swait.ge [sflag:s14], $0x4000  }
0x61: {  	p0 =	seq.s32 s4, $0x0;
	[sflag:s14] =	ssyncset.done $0x0  }
0x62: {  	s8 =	sadd.s32 s4, s9;
	s10 =	simm.s32 @!p0 $0x2;
	[sflag:s14] =	ssyncadd.s32 $0xFFFFC000  }
0x63: {  	[hbm4b:s8+s3] =	stream.linear.scatter [tilespmem:s11], [sflag:$0x2], $0x4000, $0x38;
	[tilespmem:$0x12000] =	vst v63  }
0x64: {  	_ =	swait.ge @!p0 [sflag:s10], $0x4000  }
0x65: {  	[sflag:s10] =	ssyncset.done @!p0 $0x0  }
0x66: {  	[sflag:s10] =	ssyncadd.s32 @!p0 $0xFFFFC000  }
0x67: {  	v3 =	vld [tilespmem:s26+$0xFFFFFE80];
	_ =	sdelay $0x4  }
0x68: {  	v4 =	vshll.u32 v3, $0x3  }
0x69: {  	v3 =	vand.u32 $0x7, v3;
	v4 =	vand.u32 $0xFFFFFFC0, v4  }
0x6a: {  	v3 =	vor.u32 v3, v4  }
0x6b: {  	v4 =	vperm.xlane v3, v0;
	_ =	sdelay $0x1  }
0x6c: {  	v4 =	vadd.s32 v1, v4;
	_ =	sdelay $0x4  }
0x6d: {  	[tilespmem:s15], [sflag:$0x1] =	stream.indirect_vreg.gather [hbm4b:s1+s3], $0x80, v4, vm0, $0xb8;
	[tilespmem:$0x12000] =	vst v63  }
0x6e: {  	v3 =	vperm.xlane v3, v2  }
0x6f: {  	[tilespmem:s16], [sflag:$0x1] =	stream.indirect_vreg.gather [hbm4b:s5+s3], $0x80, v4, vm0, $0xb8;
	[tilespmem:$0x12000] =	vst v63  }
0x70: {  	v3 =	vadd.s32 v1, v3  }
0x71: {  	[tilespmem:s17], [sflag:$0x1] =	stream.indirect_vreg.gather [hbm4b:s6+s3], $0x80, v4, vm0, $0xb8;
	[tilespmem:$0x12000] =	vst v63  }
0x72: {  	_ = 	snop  }
0x73: {  	[tilespmem:s18], [sflag:$0x1] =	stream.indirect_vreg.gather [hbm4b:s7+s3], $0x80, v4, vm0, $0xb8;
	[tilespmem:$0x12000] =	vst v63  }
0x74: {  	_ = 	snop  }
0x75: {  	[tilespmem:s20], [sflag:$0x1] =	stream.indirect_vreg.gather [hbm4b:s1+s3], $0x80, v3, vm0, $0xb8;
	[tilespmem:$0x12000] =	vst v63  }
0x76: {  	_ = 	snop  }
0x77: {  	[tilespmem:s21], [sflag:$0x1] =	stream.indirect_vreg.gather [hbm4b:s5+s3], $0x80, v3, vm0, $0xb8;
	[tilespmem:$0x12000] =	vst v63  }
0x78: {  	_ = 	snop  }
0x79: {  	[tilespmem:s22], [sflag:$0x1] =	stream.indirect_vreg.gather [hbm4b:s6+s3], $0x80, v3, vm0, $0xb8;
	[tilespmem:$0x12000] =	vst v63  }
0x7a: {  	_ = 	snop  }
0x7b: {  	[tilespmem:s23], [sflag:$0x1] =	stream.indirect_vreg.gather [hbm4b:s7+s3], $0x80, v3, vm0, $0xb8;
	[tilespmem:$0x12000] =	vst v63  }
0x7c: {  	_ =	swait.ge [sflag:s14], $0x4000  }
0x7d: {  	[sflag:s14] =	ssyncset.done $0x0  }
0x7e: {  	s25 =	sadd.s32 $0x800, s8;
	[sflag:s14] =	ssyncadd.s32 $0xFFFFC000  }
0x7f: {  	[hbm4b:s25+s3] =	stream.linear.scatter [tilespmem:s19], [sflag:$0x2], $0x4000, $0x38;
	[tilespmem:$0x12000] =	vst v63  }
0x80: {  	_ =	swait.ge [sflag:s24], $0x4000  }
0x81: {  	[sflag:s24] =	ssyncset.done $0x0  }
0x82: {  	p0 =	seq.s32 s4, $0x1E000;
	[sflag:s24] =	ssyncadd.s32 $0xFFFFC000  }
0x83: {  	v3 =	vld @!p0 [tilespmem:s26+$0xFFFFFF00];
	_ =	sdelay $0x4  }
0x84: {  	v4 =	vshll.u32 @!p0 v3, $0x3  }
0x85: {  	v5 =	vlaneseq.u32 @!p0;
	v3 =	vand.u32 @!p0 $0x7, v3;
	v4 =	vand.u32 @!p0 $0xFFFFFFC0, v4  }
0x86: {  	v6 =	vshrl.u32 @!p0 v5, $0x3;
	v3 =	vor.u32 @!p0 v3, v4;
	v4 =	vand.u32 @!p0 $0x7, v5  }
0x87: {  	v6 =	vmul.u32 @!p0 $0x8, v6;
	v7 =	vperm.xlane @!p0 v3, v4;
	_ =	sdelay $0x1  }
0x88: {  	v7 =	vadd.s32 @!p0 v6, v7;
	_ =	sdelay $0x3  }
0x89: {  	vm1 =	vmmov @!p0 $0xffff;
	s10 =	simm.s32 @!p0 $0x0;
	s25 =	simm.s32 @!p0 $0x2000  }
0x8a: {  	v5 =	vor.u32 @!p0 $0x8, v5;
	[tilespmem:s25], [sflag:$0x1] =	stream.indirect_vreg.gather @!p0 [hbm4b:s1+s10], $0x80, v7, vm1, $0xb8;
	[tilespmem:$0x12000] =	vst v63  }
0x8b: {  	v3 =	vperm.xlane @!p0 v3, v5;
	s25 =	simm.s32 @!p0 $0x2800  }
0x8c: {  	[tilespmem:s25], [sflag:$0x1] =	stream.indirect_vreg.gather @!p0 [hbm4b:s5+s10], $0x80, v7, vm1, $0xb8;
	[tilespmem:$0x12000] =	vst v63  }
0x8d: {  	v3 =	vadd.s32 @!p0 v6, v3;
	s25 =	simm.s32 @!p0 $0x3000  }
0x8e: {  	[tilespmem:s25], [sflag:$0x1] =	stream.indirect_vreg.gather @!p0 [hbm4b:s6+s10], $0x80, v7, vm1, $0xb8;
	[tilespmem:$0x12000] =	vst v63  }
0x8f: {  	s25 =	simm.s32 @!p0 $0x3800  }
0x90: {  	[tilespmem:s25], [sflag:$0x1] =	stream.indirect_vreg.gather @!p0 [hbm4b:s7+s10], $0x80, v7, vm1, $0xb8;
	[tilespmem:$0x12000] =	vst v63  }
0x91: {  	s25 =	simm.s32 @!p0 $0x4000  }
0x92: {  	[tilespmem:s25], [sflag:$0x1] =	stream.indirect_vreg.gather @!p0 [hbm4b:s1+s10], $0x80, v3, vm1, $0xb8;
	[tilespmem:$0x12000] =	vst v63  }
0x93: {  	s25 =	simm.s32 @!p0 $0x4800  }
0x94: {  	[tilespmem:s25], [sflag:$0x1] =	stream.indirect_vreg.gather @!p0 [hbm4b:s5+s10], $0x80, v3, vm1, $0xb8;
	[tilespmem:$0x12000] =	vst v63  }
0x95: {  	s25 =	simm.s32 @!p0 $0x5000  }
0x96: {  	[tilespmem:s25], [sflag:$0x1] =	stream.indirect_vreg.gather @!p0 [hbm4b:s6+s10], $0x80, v3, vm1, $0xb8;
	[tilespmem:$0x12000] =	vst v63  }
0x97: {  	s25 =	simm.s32 @!p0 $0x5800  }
0x98: {  	[tilespmem:s25], [sflag:$0x1] =	stream.indirect_vreg.gather @!p0 [hbm4b:s7+s10], $0x80, v3, vm1, $0xb8;
	[tilespmem:$0x12000] =	vst v63  }
0x99: {  	_ =	swait.ge [sflag:s14], $0x4000  }
0x9a: {  	[sflag:s14] =	ssyncset.done $0x0  }
0x9b: {  	s25 =	sadd.s32 $0x1000, s8;
	[sflag:s14] =	ssyncadd.s32 $0xFFFFC000  }
0x9c: {  	[hbm4b:s25+s3] =	stream.linear.scatter [tilespmem:s28], [sflag:$0x2], $0x4000, $0x38;
	[tilespmem:$0x12000] =	vst v63  }
0x9d: {  	_ =	swait.ge [sflag:s24], $0x4000  }
0x9e: {  	[sflag:s24] =	ssyncset.done $0x0  }
0x9f: {  	[sflag:s24] =	ssyncadd.s32 $0xFFFFC000  }
0xa0: {  	v3 =	vld @!p0 [tilespmem:s26+$0xFFFFFF80];
	_ =	sdelay $0x4  }
0xa1: {  	v7 =	vshll.u32 @!p0 v3, $0x3  }
0xa2: {  	v3 =	vand.u32 @!p0 $0x7, v3;
	v7 =	vand.u32 @!p0 $0xFFFFFFC0, v7  }
0xa3: {  	v3 =	vor.u32 @!p0 v3, v7  }
0xa4: {  	v4 =	vperm.xlane @!p0 v3, v4;
	_ =	sdelay $0x1  }
0xa5: {  	v4 =	vadd.s32 @!p0 v6, v4;
	_ =	sdelay $0x3  }
0xa6: {  	s25 =	simm.s32 @!p0 $0x6000  }
0xa7: {  	[tilespmem:s25], [sflag:$0x1] =	stream.indirect_vreg.gather @!p0 [hbm4b:s1+s10], $0x80, v4, vm1, $0xb8;
	[tilespmem:$0x12000] =	vst v63  }
0xa8: {  	v3 =	vperm.xlane @!p0 v3, v5;
	s25 =	simm.s32 @!p0 $0x6800  }
0xa9: {  	[tilespmem:s25], [sflag:$0x1] =	stream.indirect_vreg.gather @!p0 [hbm4b:s5+s10], $0x80, v4, vm1, $0xb8;
	[tilespmem:$0x12000] =	vst v63  }
0xaa: {  	v3 =	vadd.s32 @!p0 v6, v3;
	s25 =	simm.s32 @!p0 $0x7000  }
0xab: {  	[tilespmem:s25], [sflag:$0x1] =	stream.indirect_vreg.gather @!p0 [hbm4b:s6+s10], $0x80, v4, vm1, $0xb8;
	[tilespmem:$0x12000] =	vst v63  }
0xac: {  	s25 =	simm.s32 @!p0 $0x7800  }
0xad: {  	[tilespmem:s25], [sflag:$0x1] =	stream.indirect_vreg.gather @!p0 [hbm4b:s7+s10], $0x80, v4, vm1, $0xb8;
	[tilespmem:$0x12000] =	vst v63  }
0xae: {  	s25 =	simm.s32 @!p0 $0x8000  }
0xaf: {  	[tilespmem:s25], [sflag:$0x1] =	stream.indirect_vreg.gather @!p0 [hbm4b:s1+s10], $0x80, v3, vm1, $0xb8;
	[tilespmem:$0x12000] =	vst v63  }
0xb0: {  	s25 =	simm.s32 @!p0 $0x8800  }
0xb1: {  	[tilespmem:s25], [sflag:$0x1] =	stream.indirect_vreg.gather @!p0 [hbm4b:s5+s10], $0x80, v3, vm1, $0xb8;
	[tilespmem:$0x12000] =	vst v63  }
0xb2: {  	s25 =	simm.s32 @!p0 $0x9000  }
0xb3: {  	[tilespmem:s25], [sflag:$0x1] =	stream.indirect_vreg.gather @!p0 [hbm4b:s6+s10], $0x80, v3, vm1, $0xb8;
	[tilespmem:$0x12000] =	vst v63  }
0xb4: {  	s25 =	simm.s32 @!p0 $0x9800  }
0xb5: {  	[tilespmem:s25], [sflag:$0x1] =	stream.indirect_vreg.gather @!p0 [hbm4b:s7+s10], $0x80, v3, vm1, $0xb8;
	[tilespmem:$0x12000] =	vst v63  }
0xb6: {  	_ =	swait.ge [sflag:s14], $0x4000  }
0xb7: {  	[sflag:s14] =	ssyncset.done $0x0  }
.Ltmp2:
0xb8: {  	s8 =	sadd.s32 $0x1800, s8;
	[sflag:s14] =	ssyncadd.s32 $0xFFFFC000;
	(pc) =	sbr.rel @p0 .LBB2_4-.Ltmp2, $4  }
0xb9: {  	[hbm4b:s8+s3] =	stream.linear.scatter [tilespmem:s15], [sflag:$0x2], $0x4000, $0x38;
	[tilespmem:$0x12000] =	vst v63  }
0xba: {  	_ =	swait.ge [sflag:s24], $0x4000  }
0xbb: {  	[sflag:s24] =	ssyncset.done $0x0  }
0xbc: {  	[sflag:s24] =	ssyncadd.s32 $0xFFFFC000  }
0xbd: {  	v3 =	vld [tilespmem:s26+$0x0];
	_ =	sdelay $0x4  }
0xbe: {  	v4 =	vshll.u32 v3, $0x3  }
0xbf: {  	v3 =	vand.u32 $0x7, v3;
	v4 =	vand.u32 $0xFFFFFFC0, v4  }
0xc0: {  	v3 =	vor.u32 v3, v4  }
0xc1: {  	v4 =	vperm.xlane v3, v0;
	_ =	sdelay $0x1  }
0xc2: {  	v4 =	vadd.s32 v1, v4;
	_ =	sdelay $0x4  }
0xc3: {  	[tilespmem:s28], [sflag:$0x1] =	stream.indirect_vreg.gather [hbm4b:s1+s3], $0x80, v4, vm0, $0xb8;
	[tilespmem:$0x12000] =	vst v63  }
0xc4: {  	v3 =	vperm.xlane v3, v2  }
0xc5: {  	[tilespmem:s29], [sflag:$0x1] =	stream.indirect_vreg.gather [hbm4b:s5+s3], $0x80, v4, vm0, $0xb8;
	[tilespmem:$0x12000] =	vst v63  }
0xc6: {  	v3 =	vadd.s32 v1, v3  }
0xc7: {  	[tilespmem:s30], [sflag:$0x1] =	stream.indirect_vreg.gather [hbm4b:s6+s3], $0x80, v4, vm0, $0xb8;
	[tilespmem:$0x12000] =	vst v63  }
0xc8: {  	_ = 	snop  }
0xc9: {  	[tilespmem:s31], [sflag:$0x1] =	stream.indirect_vreg.gather [hbm4b:s7+s3], $0x80, v4, vm0, $0xb8;
	[tilespmem:$0x12000] =	vst v63  }
0xca: {  	_ = 	snop  }
0xcb: {  	[tilespmem:s0], [sflag:$0x1] =	stream.indirect_vreg.gather [hbm4b:s1+s3], $0x80, v3, vm0, $0xb8;
	[tilespmem:$0x12000] =	vst v63  }
0xcc: {  	_ = 	snop  }
0xcd: {  	[tilespmem:s2], [sflag:$0x1] =	stream.indirect_vreg.gather [hbm4b:s5+s3], $0x80, v3, vm0, $0xb8;
	[tilespmem:$0x12000] =	vst v63  }
.Ltmp3:
0xce: {  	_ = 	snop;
	(pc) =	sbr.rel .LBB2_2-.Ltmp3, $4  }
0xcf: {  	_ = 	snop  }
0xd0: {  	[tilespmem:s12], [sflag:$0x1] =	stream.indirect_vreg.gather [hbm4b:s6+s3], $0x80, v3, vm0, $0xb8;
	[tilespmem:$0x12000] =	vst v63  }
0xd1: {  	s4 =	sadd.s32 $0x2000, s4;
	s26 =	sadd.s32 $0x200, s26  }
0xd2: {  	[tilespmem:s13], [sflag:$0x1] =	stream.indirect_vreg.gather [hbm4b:s7+s3], $0x80, v3, vm0, $0xb8;
	[tilespmem:$0x12000] =	vst v63  }
.LBB2_5:
0xd3: {  	_ =	sfence.sel $0x180000  }
0xd4: {  	[bflag:$0x0] =	sbarrier.arrive $0xFFFF  }
0xd5: {  	_ =	strace $0x90000047  }
0xd6: {  	s0 =	stileid.u32;
	[bflag:$0x2] =	sbarrier.arrive $0xFFFF  }
0xd7: {  	p0 =	sne.s32 s0, $0x0;
	s0 =	rddreg [dreg:$0x3]  }
0xd8: {  	s0 =	sadd.s32 @!p0 $0x100000, s0  }
0xd9: {  	[sflag:s0] =	ssyncadd.tile.s32 @!p0 $0x1;
	_ =	shalt  }
.Lfunc_end2:
_tile_overlayer_lowered:
.L_overlay_start_2:
0xda: {  	(tag) =	ssettag $0x2  }
0xdb: {  	s0 =	rddreg [dreg:$0x0];
	s2 =	stileid.u32  }
0xdc: {  	s1 =	rddreg [dreg:$0x1];
	p0 =	sne.s32 s2, $0x0  }
0xdd: {  	s3 =	rddreg [dreg:$0x2];
	[bflag:$0x3] =	sbarrier.arrive $0xFFFF;
	s2 =	simm.s32 @!p0 $0x1C03  }
0xde: {  	[timem:s3], [sflag:s2] =	dma.local @!p0 [hbm:s0], s1  }
0xdf: {  	s0 =	simm.s32 @!p0 $0x3  }
0xe0: {  	_ =	swait.ge @!p0 [sflag:s0], s1  }
0xe1: {  	s1 =	ssub.s32 @!p0 $0x0, s1;
	[sflag:s0] =	ssyncset.done @!p0 $0x0  }
0xe2: {  	[sflag:s0] =	ssyncadd.s32 @!p0 s1  }
0xe3: {  	[bflag:$0x3] =	sbarrier.arrive $0xFFFF  }
0xe4: {  	_ =	shalt  }

</sc_bundles>
